<compile_context>
chip_gen: v7x
topology: tpu7x:2x2x1
jax: 0.10.2.dev20260603
libtpu: 0.0.44.dev20260713+nightly
codegen_flags: <defaults>
</compile_context>

<pallas_src>
import functools

import jax
import jax.numpy as jnp
from jax import lax
from jax.experimental import pallas as pl
from jax.experimental.pallas import tpu as pltpu
from jax.experimental.pallas import tpu_sc as plsc

N = 10000
FH = 128
NC = 2
NS = 16
CHUNK = 128
N_PAD = 10112
RPS = N_PAD // NS
TRASH = N


def _deg_body(rows_per_worker, dstm, z128, o128, deg0, deg1,
              acc, dst_v, ones_v, sem):
    c = lax.axis_index("c")
    s = lax.axis_index("s")
    pltpu.sync_copy(z128, acc.at[pl.ds(s * RPS, RPS)])
    pltpu.sync_copy(o128, ones_v)
    wid = c * NS + s
    pltpu.sync_copy(dstm.at[pl.ds(wid * rows_per_worker, rows_per_worker)],
                    dst_v)
    plsc.subcore_barrier()

    def grp(g, carry):
        for j in range(8):
            pltpu.async_copy(ones_v, acc.at[dst_v.at[g * 8 + j]], sem,
                             add=True)
        for _ in range(8):
            pltpu.make_async_copy(ones_v, acc.at[dst_v.at[0]], sem).wait()
        return carry

    lax.fori_loop(0, rows_per_worker // 8, grp, 0)
    plsc.subcore_barrier()

    @pl.when(c == 0)
    def _():
        pltpu.sync_copy(acc.at[pl.ds(s * RPS, RPS)],
                        deg0.at[pl.ds(s * RPS, RPS)])

    @pl.when(c == 1)
    def _():
        pltpu.sync_copy(acc.at[pl.ds(s * RPS, RPS)],
                        deg1.at[pl.ds(s * RPS, RPS)])


def _deg_call(dstm, z128, o128, rows_all):
    rows_per_worker = rows_all // (NC * NS)
    body = functools.partial(_deg_body, rows_per_worker)
    f = pl.kernel(
        body,
        out_type=(
            jax.ShapeDtypeStruct((N_PAD, FH), jnp.float32),
            jax.ShapeDtypeStruct((N_PAD, FH), jnp.float32),
        ),
        mesh=plsc.VectorSubcoreMesh(core_axis_name="c", subcore_axis_name="s"),
        scratch_types=(
            pltpu.VMEM_SHARED((N_PAD, FH), jnp.float32),
            pltpu.VMEM((rows_per_worker, CHUNK), jnp.int32),
            pltpu.VMEM((CHUNK, FH), jnp.float32),
            pltpu.SemaphoreType.DMA,
        ),
    )
    return f(dstm, z128, o128)


CHUNK_A = 64
NBUF = 4
SEG_A = 40


def _agg_body(rows_per_sub, cs0, cs1, srcm, dstm, z128, agg0, agg1,
              acc, src_v, dst_v, r0, r1, r2, r3,
              g0, g1, g2, g3, t0, t1, t2, t3):
    c = lax.axis_index("c")
    s = lax.axis_index("s")
    pltpu.sync_copy(z128, acc.at[pl.ds(s * RPS, RPS)])
    base = s * rows_per_sub
    plsc.subcore_barrier()

    rows = (r0, r1, r2, r3)
    sem_g = (g0, g1, g2, g3)
    sem_s = (t0, t1, t2, t3)

    def run(cs_hbm, agg_hbm):
        def gather(b, k):
            pltpu.async_copy(cs_hbm.at[src_v.at[k]], rows[b], sem_g[b])

        def wait_gather(b):
            pltpu.make_async_copy(cs_hbm.at[src_v.at[0]], rows[b],
                                  sem_g[b]).wait()

        def scatter(b, k):
            pltpu.async_copy(rows[b], acc.at[dst_v.at[k]], sem_s[b],
                             add=True)

        def wait_scatter(b):
            pltpu.make_async_copy(rows[b], acc.at[dst_v.at[0]],
                                  sem_s[b]).wait()

        def seg_body(gidx, carry):
            pltpu.sync_copy(srcm.at[pl.ds(base + gidx * SEG_A, SEG_A)],
                            src_v)
            pltpu.sync_copy(dstm.at[pl.ds(base + gidx * SEG_A, SEG_A)],
                            dst_v)
            gather(0, 0)
            gather(1, 1)
            gather(2, 2)

            def quad(q, carry2):
                for b in range(NBUF):
                    k = NBUF * q + b
                    bprev = (b - 1) % NBUF
                    wait_gather(b)
                    scatter(b, k)

                    @pl.when(k >= 1)
                    def _(bp=bprev):
                        wait_scatter(bp)

                    @pl.when(k + 3 < SEG_A)
                    def _(bp=bprev, kk=k):
                        gather(bp, kk + 3)

                return carry2

            lax.fori_loop(0, SEG_A // NBUF, quad, 0)
            wait_scatter(NBUF - 1)
            return carry

        lax.fori_loop(0, rows_per_sub // SEG_A, seg_body, 0)
        plsc.subcore_barrier()
        pltpu.sync_copy(acc.at[pl.ds(s * RPS, RPS)],
                        agg_hbm.at[pl.ds(s * RPS, RPS)])

    @pl.when(c == 0)
    def _():
        run(cs0, agg0)

    @pl.when(c == 1)
    def _():
        run(cs1, agg1)


def _agg_call(cs0, cs1, srcm, dstm, z128, rows_all64):
    rows_per_sub = rows_all64 // NS
    body = functools.partial(_agg_body, rows_per_sub)
    f = pl.kernel(
        body,
        out_type=(
            jax.ShapeDtypeStruct((N_PAD, FH), jnp.float32),
            jax.ShapeDtypeStruct((N_PAD, FH), jnp.float32),
        ),
        mesh=plsc.VectorSubcoreMesh(core_axis_name="c", subcore_axis_name="s"),
        scratch_types=(
            pltpu.VMEM_SHARED((N_PAD, FH), jnp.float32),
            pltpu.VMEM((SEG_A, CHUNK_A), jnp.int32),
            pltpu.VMEM((SEG_A, CHUNK_A), jnp.int32),
            pltpu.VMEM((CHUNK_A, FH), jnp.float32),
            pltpu.VMEM((CHUNK_A, FH), jnp.float32),
            pltpu.VMEM((CHUNK_A, FH), jnp.float32),
            pltpu.VMEM((CHUNK_A, FH), jnp.float32),
            pltpu.SemaphoreType.DMA,
            pltpu.SemaphoreType.DMA,
            pltpu.SemaphoreType.DMA,
            pltpu.SemaphoreType.DMA,
            pltpu.SemaphoreType.DMA,
            pltpu.SemaphoreType.DMA,
            pltpu.SemaphoreType.DMA,
            pltpu.SemaphoreType.DMA,
        ),
    )
    return f(cs0, cs1, srcm, dstm, z128)


def _scale_body(x_ref, h_ref, d0_ref, d1_ref, cs0_ref, cs1_ref):
    deg = 1.0 + d0_ref[:, 0:1] + d1_ref[:, 0:1]
    dinv = lax.rsqrt(deg)
    cs0_ref[...] = x_ref[...] * dinv
    cs1_ref[...] = h_ref[...] * dinv


def _scale_call(x, h, deg0, deg1):
    B = 400
    grid = N // B
    return pl.pallas_call(
        _scale_body,
        grid=(grid,),
        in_specs=[
            pl.BlockSpec((B, FH), lambda i: (i, 0)),
            pl.BlockSpec((B, FH), lambda i: (i, 0)),
            pl.BlockSpec((B, FH), lambda i: (i, 0)),
            pl.BlockSpec((B, FH), lambda i: (i, 0)),
        ],
        out_specs=[
            pl.BlockSpec((B, FH), lambda i: (i, 0)),
            pl.BlockSpec((B, FH), lambda i: (i, 0)),
        ],
        out_shape=[
            jax.ShapeDtypeStruct((N, FH), jnp.float32),
            jax.ShapeDtypeStruct((N, FH), jnp.float32),
        ],
    )(x, h, deg0, deg1)


def _gate_body(a0_ref, a1_ref, cs0_ref, cs1_ref, d0_ref, d1_ref, c_ref,
               w_ref, b_ref, h_out, c_out):
    dinv = lax.rsqrt(1.0 + d0_ref[:, 0:1] + d1_ref[:, 0:1])
    z0 = (a0_ref[...] + cs0_ref[...]) * dinv
    z1 = (a1_ref[...] + cs1_ref[...]) * dinv
    z = jnp.concatenate([z0, z1], axis=1)
    g4 = jnp.dot(z, w_ref[...], preferred_element_type=jnp.float32)
    g4 = g4 + b_ref[...]
    gi = jax.nn.sigmoid(g4[:, 0 * FH:1 * FH])
    gf = jax.nn.sigmoid(g4[:, 1 * FH:2 * FH])
    go = jax.nn.sigmoid(g4[:, 2 * FH:3 * FH])
    gg = jnp.tanh(g4[:, 3 * FH:4 * FH])
    cn = gf * c_ref[...] + gi * gg
    h_out[...] = go * jnp.tanh(cn)
    c_out[...] = cn


def _gate_call(agg0, agg1, cs0, cs1, deg0, deg1, c, w4, b4):
    B = 400
    grid = N // B
    return pl.pallas_call(
        _gate_body,
        grid=(grid,),
        in_specs=[
            pl.BlockSpec((B, FH), lambda i: (i, 0)),
            pl.BlockSpec((B, FH), lambda i: (i, 0)),
            pl.BlockSpec((B, FH), lambda i: (i, 0)),
            pl.BlockSpec((B, FH), lambda i: (i, 0)),
            pl.BlockSpec((B, FH), lambda i: (i, 0)),
            pl.BlockSpec((B, FH), lambda i: (i, 0)),
            pl.BlockSpec((B, FH), lambda i: (i, 0)),
            pl.BlockSpec((2 * FH, 4 * FH), lambda i: (0, 0)),
            pl.BlockSpec((1, 4 * FH), lambda i: (0, 0)),
        ],
        out_specs=[
            pl.BlockSpec((B, FH), lambda i: (i, 0)),
            pl.BlockSpec((B, FH), lambda i: (i, 0)),
        ],
        out_shape=[
            jax.ShapeDtypeStruct((N, FH), jnp.float32),
            jax.ShapeDtypeStruct((N, FH), jnp.float32),
        ],
    )(agg0, agg1, cs0, cs1, deg0, deg1, c, w4, b4)


def kernel(x, h, c, edge_index, W_i, b_i, W_f, b_f, W_o, b_o, W_g, b_g):
    e = edge_index.shape[1]
    group = NC * NS * CHUNK * 8
    e_pad = ((e + group - 1) // group) * group
    rows_all = e_pad // CHUNK

    src = edge_index[0].astype(jnp.int32)
    dst = edge_index[1].astype(jnp.int32)
    pad = e_pad - e
    src_p = jnp.concatenate([src, jnp.zeros((pad,), jnp.int32)])
    dst_p = jnp.concatenate([dst, jnp.full((pad,), TRASH, jnp.int32)])
    dstm = dst_p.reshape(rows_all, CHUNK)
    srcm64 = src_p.reshape(e_pad // CHUNK_A, CHUNK_A)
    dstm64 = dst_p.reshape(e_pad // CHUNK_A, CHUNK_A)

    z128 = jnp.zeros((RPS, FH), jnp.float32)
    o128 = jnp.ones((CHUNK, FH), jnp.float32)

    deg0, deg1 = _deg_call(dstm, z128, o128, rows_all)
    cs0, cs1 = _scale_call(x, h, deg0, deg1)
    agg0, agg1 = _agg_call(cs0, cs1, srcm64, dstm64, z128, e_pad // CHUNK_A)

    w4 = jnp.concatenate([W_i, W_f, W_o, W_g], axis=1)
    b4 = jnp.concatenate([b_i, b_f, b_o, b_g]).reshape(1, 4 * FH)
    h_new, c_new = _gate_call(agg0, agg1, cs0, cs1, deg0, deg1, c, w4, b4)
    return (h_new, c_new)

# --- scband reference (transcript-rebuilt; emitter-appended) ---
"""Pipeline reference for scband-gcn-lstm-cell-32049045962800 (READ-ONLY COPY).

The authoritative reference and input builder live on the scoring server;
editing this copy changes nothing except your own understanding.
"""

import jax, jax.numpy as jnp
import numpy as np

N = 10000
E = 320000
N_IN = 128
N_OUT = 128


def gcn_conv(x, edge_index, W, b):
    # Faithful GCNConv: linear transform, add self-loops, symmetric deg norm, scatter-add, bias
    n = x.shape[0]
    src = edge_index[0]
    dst = edge_index[1]
    loop = jnp.arange(n, dtype=src.dtype)
    src = jnp.concatenate([src, loop])
    dst = jnp.concatenate([dst, loop])
    xw = x @ W
    deg = jnp.zeros((n,), xw.dtype).at[dst].add(1.0)
    dinv = jnp.where(deg > 0, jax.lax.rsqrt(deg), 0.0)
    norm = dinv[src] * dinv[dst]
    msg = xw[src] * norm[:, None]
    out = jnp.zeros((n, W.shape[1]), xw.dtype).at[dst].add(msg)
    return out + b


def setup_inputs(seed: int = 0) -> dict:
    key = jax.random.key(seed)
    ks = jax.random.split(key, 12)
    d = N_IN + N_OUT
    scale = 1.0 / np.sqrt(d)
    inp = {
        "x": jax.random.normal(ks[0], (N, N_IN), jnp.float32),
        "h": jax.random.normal(ks[1], (N, N_OUT), jnp.float32),
        "c": jax.random.normal(ks[2], (N, N_OUT), jnp.float32),
        "edge_index": jax.random.randint(ks[3], (2, E), 0, N),
        "W_i": jax.random.normal(ks[4], (d, N_OUT), jnp.float32) * scale,
        "b_i": jnp.zeros((N_OUT,), jnp.float32),
        "W_f": jax.random.normal(ks[5], (d, N_OUT), jnp.float32) * scale,
        "b_f": jnp.zeros((N_OUT,), jnp.float32),
        "W_o": jax.random.normal(ks[6], (d, N_OUT), jnp.float32) * scale,
        "b_o": jnp.zeros((N_OUT,), jnp.float32),
        "W_g": jax.random.normal(ks[7], (d, N_OUT), jnp.float32) * scale,
        "b_g": jnp.zeros((N_OUT,), jnp.float32),
    }
    return inp


def reference(x, h, c, edge_index, W_i, b_i, W_f, b_f, W_o, b_o, W_g, b_g):
    combined = jnp.concatenate([x, h], axis=-1)
    i = jax.nn.sigmoid(gcn_conv(combined, edge_index, W_i, b_i))
    f = jax.nn.sigmoid(gcn_conv(combined, edge_index, W_f, b_f))
    o = jax.nn.sigmoid(gcn_conv(combined, edge_index, W_o, b_o))
    g = jnp.tanh(gcn_conv(combined, edge_index, W_g, b_g))
    c_new = f * c + i * g
    h_new = o * jnp.tanh(c_new)
    return (h_new, c_new)

if __name__ == "__main__":
    import jax
    _d = setup_inputs()
    print(jax.jit(kernel)(*tuple(_d.values())))

</pallas_src>

<mosaic_0001>
#map = affine_map<(d0, d1) -> (0, 0)>
module attributes {stable_mosaic.version = 14 : i64} {
  func.func @_agg_body(%arg0: i32, %arg1: i32, %arg2: memref<10000x128xf32, #tpu.memory_space<hbm>>, %arg3: memref<10000x128xf32, #tpu.memory_space<hbm>>, %arg4: memref<5120x64xi32, #tpu.memory_space<hbm>>, %arg5: memref<5120x64xi32, #tpu.memory_space<hbm>>, %arg6: memref<632x128xf32, #tpu.memory_space<hbm>>, %arg7: memref<10112x128xf32, #tpu.memory_space<hbm>>, %arg8: memref<10112x128xf32, #tpu.memory_space<hbm>>, %arg9: memref<10112x128xf32, #tpu.memory_space<vmem_shared>>, %arg10: memref<40x64xi32, #tpu.memory_space<vmem>>, %arg11: memref<40x64xi32, #tpu.memory_space<vmem>>, %arg12: memref<64x128xf32, #tpu.memory_space<vmem>>, %arg13: memref<64x128xf32, #tpu.memory_space<vmem>>, %arg14: memref<64x128xf32, #tpu.memory_space<vmem>>, %arg15: memref<64x128xf32, #tpu.memory_space<vmem>>, %arg16: memref<!tpu.dma_semaphore, #tpu.memory_space<semaphore_mem>>, %arg17: memref<!tpu.dma_semaphore, #tpu.memory_space<semaphore_mem>>, %arg18: memref<!tpu.dma_semaphore, #tpu.memory_space<semaphore_mem>>, %arg19: memref<!tpu.dma_semaphore, #tpu.memory_space<semaphore_mem>>, %arg20: memref<!tpu.dma_semaphore, #tpu.memory_space<semaphore_mem>>, %arg21: memref<!tpu.dma_semaphore, #tpu.memory_space<semaphore_mem>>, %arg22: memref<!tpu.dma_semaphore, #tpu.memory_space<semaphore_mem>>, %arg23: memref<!tpu.dma_semaphore, #tpu.memory_space<semaphore_mem>>) attributes {dimension_semantics = [#tpu.dimension_semantics<core_parallel>, #tpu.dimension_semantics<subcore_parallel>], iteration_bounds = array<i64: 2, 16>, scalar_prefetch = 0 : i64, scratch_operands = 15 : i64, tpu.core_type = #tpu.core_type<sc_vector_subcore>, window_params = [{transform_indices = #map}, {transform_indices = #map}, {transform_indices = #map}, {transform_indices = #map}, {transform_indices = #map}, {transform_indices = #map}, {transform_indices = #map}]} {
    %mul3A = arith.constant 632 : i32
    %mul3A_0 = arith.muli %arg1, %mul3A : i32
    "tpu.region"() ({
      %run_scoped3A = tpu.sem_alloc : memref<!tpu.dma_semaphore, #tpu.memory_space<semaphore_mem>>
      %dma_start3A = arith.constant 0 : i32
      %dma_start3A_10 = tpu.memref_slice %arg9[%mul3A_0, %dma_start3A] : memref<10112x128xf32, #tpu.memory_space<vmem_shared>> -> memref<632x128xf32, #tpu.memory_space<vmem_shared>>
      tpu.enqueue_dma source(%arg6 : memref<632x128xf32, #tpu.memory_space<hbm>>) target(%dma_start3A_10 : memref<632x128xf32, #tpu.memory_space<vmem_shared>>) target_semaphore(%run_scoped3A : memref<!tpu.dma_semaphore, #tpu.memory_space<semaphore_mem>>)
      %dma_wait3A = arith.constant 0 : i32
      %dma_wait3A_11 = tpu.memref_slice %arg9[%mul3A_0, %dma_wait3A] : memref<10112x128xf32, #tpu.memory_space<vmem_shared>> -> memref<632x128xf32, #tpu.memory_space<vmem_shared>>
      tpu.wait_dma2 semaphore(%run_scoped3A : memref<!tpu.dma_semaphore, #tpu.memory_space<semaphore_mem>>) src(%arg6 : memref<632x128xf32, #tpu.memory_space<hbm>>) dst(%dma_wait3A_11 : memref<632x128xf32, #tpu.memory_space<vmem_shared>>)
      tpu.yield
    }) : () -> ()
    %mul3A_1 = arith.constant 320 : i32
    %mul3A_2 = arith.muli %arg1, %mul3A_1 : i32
    %barrier3A = arith.constant 0 : index
    tpu.barrier barrier_id(%barrier3A)
    %eq3A = arith.constant 0 : i32
    %eq3A_3 = arith.cmpi eq, %arg0, %eq3A : i32
    %convert_element_type3A = arith.extui %eq3A_3 : i1 to i32
    %cond3A = arith.constant 0 : i32
    %cond3A_4 = arith.cmpi ne, %convert_element_type3A, %cond3A : i32
    scf.if %cond3A_4 {
      %scan3A = arith.constant 0 : i32
      %scan3A_10 = arith.constant 0 : i32
      %scan3A_11 = arith.constant 8 : i32
      %scan3A_12 = arith.addi %scan3A_10, %scan3A_11 : i32
      %scan3A_13 = arith.constant 1 : i32
      scf.for %scan3A_20 = %scan3A_10 to %scan3A_12 step %scan3A_13  : i32 {
        %mul3A_21 = arith.constant 40 : i32
        %mul3A_22 = arith.muli %scan3A_20, %mul3A_21 : i32
        %add3A = arith.addi %mul3A_2, %mul3A_22 : i32
        "tpu.region"() ({
          %run_scoped3A = tpu.sem_alloc : memref<!tpu.dma_semaphore, #tpu.memory_space<semaphore_mem>>
          %dma_start3A_58 = arith.constant 0 : i32
          %dma_start3A_59 = tpu.memref_slice %arg4[%add3A, %dma_start3A_58] : memref<5120x64xi32, #tpu.memory_space<hbm>> -> memref<40x64xi32, #tpu.memory_space<hbm>>
          %dma_start3A_60 = arith.constant 0 : i32
          %dma_start3A_61 = tpu.memref_slice %arg4[%add3A, %dma_start3A_60] : memref<5120x64xi32, #tpu.memory_space<hbm>> -> memref<40x64xi32, #tpu.memory_space<hbm>>
          tpu.enqueue_dma source(%dma_start3A_61 : memref<40x64xi32, #tpu.memory_space<hbm>>) target(%arg10 : memref<40x64xi32, #tpu.memory_space<vmem>>) target_semaphore(%run_scoped3A : memref<!tpu.dma_semaphore, #tpu.memory_space<semaphore_mem>>)
          %dma_wait3A_62 = arith.constant 0 : i32
          %dma_wait3A_63 = tpu.memref_slice %arg4[%add3A, %dma_wait3A_62] : memref<5120x64xi32, #tpu.memory_space<hbm>> -> memref<40x64xi32, #tpu.memory_space<hbm>>
          %dma_wait3A_64 = arith.constant 0 : i32
          %dma_wait3A_65 = tpu.memref_slice %arg4[%add3A, %dma_wait3A_64] : memref<5120x64xi32, #tpu.memory_space<hbm>> -> memref<40x64xi32, #tpu.memory_space<hbm>>
          tpu.wait_dma2 semaphore(%run_scoped3A : memref<!tpu.dma_semaphore, #tpu.memory_space<semaphore_mem>>) src(%dma_wait3A_65 : memref<40x64xi32, #tpu.memory_space<hbm>>) dst(%arg10 : memref<40x64xi32, #tpu.memory_space<vmem>>)
          tpu.yield
        }) : () -> ()
        %mul3A_23 = arith.constant 40 : i32
        %mul3A_24 = arith.muli %scan3A_20, %mul3A_23 : i32
        %add3A_25 = arith.addi %mul3A_2, %mul3A_24 : i32
        "tpu.region"() ({
          %run_scoped3A = tpu.sem_alloc : memref<!tpu.dma_semaphore, #tpu.memory_space<semaphore_mem>>
          %dma_start3A_58 = arith.constant 0 : i32
          %dma_start3A_59 = tpu.memref_slice %arg5[%add3A_25, %dma_start3A_58] : memref<5120x64xi32, #tpu.memory_space<hbm>> -> memref<40x64xi32, #tpu.memory_space<hbm>>
          %dma_start3A_60 = arith.constant 0 : i32
          %dma_start3A_61 = tpu.memref_slice %arg5[%add3A_25, %dma_start3A_60] : memref<5120x64xi32, #tpu.memory_space<hbm>> -> memref<40x64xi32, #tpu.memory_space<hbm>>
          tpu.enqueue_dma source(%dma_start3A_61 : memref<40x64xi32, #tpu.memory_space<hbm>>) target(%arg11 : memref<40x64xi32, #tpu.memory_space<vmem>>) target_semaphore(%run_scoped3A : memref<!tpu.dma_semaphore, #tpu.memory_space<semaphore_mem>>)
          %dma_wait3A_62 = arith.constant 0 : i32
          %dma_wait3A_63 = tpu.memref_slice %arg5[%add3A_25, %dma_wait3A_62] : memref<5120x64xi32, #tpu.memory_space<hbm>> -> memref<40x64xi32, #tpu.memory_space<hbm>>
          %dma_wait3A_64 = arith.constant 0 : i32
          %dma_wait3A_65 = tpu.memref_slice %arg5[%add3A_25, %dma_wait3A_64] : memref<5120x64xi32, #tpu.memory_space<hbm>> -> memref<40x64xi32, #tpu.memory_space<hbm>>
          tpu.wait_dma2 semaphore(%run_scoped3A : memref<!tpu.dma_semaphore, #tpu.memory_space<semaphore_mem>>) src(%dma_wait3A_65 : memref<40x64xi32, #tpu.memory_space<hbm>>) dst(%arg11 : memref<40x64xi32, #tpu.memory_space<vmem>>)
          tpu.yield
        }) : () -> ()
        %dma_start3A = arith.constant 0 : i32
        %dma_start3A_26 = arith.constant 0 : i32
        %dma_start3A_27 = tpu.memref_slice %arg10[%dma_start3A, %dma_start3A_26] : memref<40x64xi32, #tpu.memory_space<vmem>> -> memref<1x64xi32, #tpu.memory_space<vmem>>
        %dma_start3A_28 = tpu.memref_squeeze %dma_start3A_27 : memref<1x64xi32, #tpu.memory_space<vmem>> -> memref<64xi32, #tpu.memory_space<vmem>>
        %dma_start3A_29 = arith.constant 0 : i32
        %dma_start3A_30 = arith.constant 0 : i32
        %dma_start3A_31 = tpu.memref_slice %arg2[%dma_start3A_29, %dma_start3A_30] : memref<10000x128xf32, #tpu.memory_space<hbm>> -> memref<10000x128xf32, #tpu.memory_space<hbm>>
        tpu.enqueue_indirect_dma source(%dma_start3A_31 : memref<10000x128xf32, #tpu.memory_space<hbm>>) target(%arg12 : memref<64x128xf32, #tpu.memory_space<vmem>>) offsets(%dma_start3A_28 : memref<64xi32, #tpu.memory_space<vmem>>) semaphore(%arg16 : memref<!tpu.dma_semaphore, #tpu.memory_space<semaphore_mem>>)
        %dma_start3A_32 = arith.constant 1 : i32
        %dma_start3A_33 = arith.constant 0 : i32
        %dma_start3A_34 = tpu.memref_slice %arg10[%dma_start3A_32, %dma_start3A_33] : memref<40x64xi32, #tpu.memory_space<vmem>> -> memref<1x64xi32, #tpu.memory_space<vmem>>
        %dma_start3A_35 = tpu.memref_squeeze %dma_start3A_34 : memref<1x64xi32, #tpu.memory_space<vmem>> -> memref<64xi32, #tpu.memory_space<vmem>>
        %dma_start3A_36 = arith.constant 0 : i32
        %dma_start3A_37 = arith.constant 0 : i32
        %dma_start3A_38 = tpu.memref_slice %arg2[%dma_start3A_36, %dma_start3A_37] : memref<10000x128xf32, #tpu.memory_space<hbm>> -> memref<10000x128xf32, #tpu.memory_space<hbm>>
        tpu.enqueue_indirect_dma source(%dma_start3A_38 : memref<10000x128xf32, #tpu.memory_space<hbm>>) target(%arg13 : memref<64x128xf32, #tpu.memory_space<vmem>>) offsets(%dma_start3A_35 : memref<64xi32, #tpu.memory_space<vmem>>) semaphore(%arg17 : memref<!tpu.dma_semaphore, #tpu.memory_space<semaphore_mem>>)
        %dma_start3A_39 = arith.constant 2 : i32
        %dma_start3A_40 = arith.constant 0 : i32
        %dma_start3A_41 = tpu.memref_slice %arg10[%dma_start3A_39, %dma_start3A_40] : memref<40x64xi32, #tpu.memory_space<vmem>> -> memref<1x64xi32, #tpu.memory_space<vmem>>
        %dma_start3A_42 = tpu.memref_squeeze %dma_start3A_41 : memref<1x64xi32, #tpu.memory_space<vmem>> -> memref<64xi32, #tpu.memory_space<vmem>>
        %dma_start3A_43 = arith.constant 0 : i32
        %dma_start3A_44 = arith.constant 0 : i32
        %dma_start3A_45 = tpu.memref_slice %arg2[%dma_start3A_43, %dma_start3A_44] : memref<10000x128xf32, #tpu.memory_space<hbm>> -> memref<10000x128xf32, #tpu.memory_space<hbm>>
        tpu.enqueue_indirect_dma source(%dma_start3A_45 : memref<10000x128xf32, #tpu.memory_space<hbm>>) target(%arg14 : memref<64x128xf32, #tpu.memory_space<vmem>>) offsets(%dma_start3A_42 : memref<64xi32, #tpu.memory_space<vmem>>) semaphore(%arg18 : memref<!tpu.dma_semaphore, #tpu.memory_space<semaphore_mem>>)
        %scan3A_46 = arith.constant 0 : i32
        %scan3A_47 = arith.constant 0 : i32
        %scan3A_48 = arith.constant 10 : i32
        %scan3A_49 = arith.addi %scan3A_47, %scan3A_48 : i32
        %scan3A_50 = arith.constant 1 : i32
        scf.for %scan3A_58 = %scan3A_47 to %scan3A_49 step %scan3A_50  : i32 {
          %mul3A_59 = arith.constant 4 : i32
          %mul3A_60 = arith.muli %mul3A_59, %scan3A_58 : i32
          %add3A_61 = arith.constant 0 : i32
          %add3A_62 = arith.addi %mul3A_60, %add3A_61 : i32
          %dma_wait3A_63 = arith.constant 0 : i32
          %dma_wait3A_64 = arith.constant 0 : i32
          %dma_wait3A_65 = tpu.memref_slice %arg10[%dma_wait3A_63, %dma_wait3A_64] : memref<40x64xi32, #tpu.memory_space<vmem>> -> memref<1x64xi32, #tpu.memory_space<vmem>>
          %dma_wait3A_66 = tpu.memref_squeeze %dma_wait3A_65 : memref<1x64xi32, #tpu.memory_space<vmem>> -> memref<64xi32, #tpu.memory_space<vmem>>
          %dma_wait3A_67 = arith.constant 0 : i32
          %dma_wait3A_68 = arith.constant 0 : i32
          %dma_wait3A_69 = tpu.memref_slice %arg2[%dma_wait3A_67, %dma_wait3A_68] : memref<10000x128xf32, #tpu.memory_space<hbm>> -> memref<10000x128xf32, #tpu.memory_space<hbm>>
          tpu.wait_indirect_dma semaphore(%arg16 : memref<!tpu.dma_semaphore, #tpu.memory_space<semaphore_mem>>) src(%dma_wait3A_69 : memref<10000x128xf32, #tpu.memory_space<hbm>>) dst(%arg12 : memref<64x128xf32, #tpu.memory_space<vmem>>)
          %dma_start3A_70 = arith.constant 0 : i32
          %dma_start3A_71 = tpu.memref_slice %arg11[%add3A_62, %dma_start3A_70] : memref<40x64xi32, #tpu.memory_space<vmem>> -> memref<1x64xi32, #tpu.memory_space<vmem>>
          %dma_start3A_72 = tpu.memref_squeeze %dma_start3A_71 : memref<1x64xi32, #tpu.memory_space<vmem>> -> memref<64xi32, #tpu.memory_space<vmem>>
          %dma_start3A_73 = arith.constant 0 : i32
          %dma_start3A_74 = arith.constant 0 : i32
          %dma_start3A_75 = tpu.memref_slice %arg9[%dma_start3A_73, %dma_start3A_74] : memref<10112x128xf32, #tpu.memory_space<vmem_shared>> -> memref<10112x128xf32, #tpu.memory_space<vmem_shared>>
          tpu.enqueue_indirect_dma source(%arg12 : memref<64x128xf32, #tpu.memory_space<vmem>>) target(%dma_start3A_75 : memref<10112x128xf32, #tpu.memory_space<vmem_shared>>) offsets(%dma_start3A_72 : memref<64xi32, #tpu.memory_space<vmem>>) semaphore(%arg20 : memref<!tpu.dma_semaphore, #tpu.memory_space<semaphore_mem>>) {add = true}
          %ge3A = arith.constant 1 : i32
          %ge3A_76 = arith.cmpi sge, %add3A_62, %ge3A : i32
          %convert_element_type3A_77 = arith.extui %ge3A_76 : i1 to i32
          %cond3A_78 = arith.constant 0 : i32
          %cond3A_79 = arith.cmpi ne, %convert_element_type3A_77, %cond3A_78 : i32
          scf.if %cond3A_79 {
            %dma_wait3A_173 = arith.constant 0 : i32
            %dma_wait3A_174 = arith.constant 0 : i32
            %dma_wait3A_175 = tpu.memref_slice %arg11[%dma_wait3A_173, %dma_wait3A_174] : memref<40x64xi32, #tpu.memory_space<vmem>> -> memref<1x64xi32, #tpu.memory_space<vmem>>
            %dma_wait3A_176 = tpu.memref_squeeze %dma_wait3A_175 : memref<1x64xi32, #tpu.memory_space<vmem>> -> memref<64xi32, #tpu.memory_space<vmem>>
            %dma_wait3A_177 = arith.constant 0 : i32
            %dma_wait3A_178 = arith.constant 0 : i32
            %dma_wait3A_179 = tpu.memref_slice %arg9[%dma_wait3A_177, %dma_wait3A_178] : memref<10112x128xf32, #tpu.memory_space<vmem_shared>> -> memref<10112x128xf32, #tpu.memory_space<vmem_shared>>
            tpu.wait_indirect_dma semaphore(%arg23 : memref<!tpu.dma_semaphore, #tpu.memory_space<semaphore_mem>>) src(%arg15 : memref<64x128xf32, #tpu.memory_space<vmem>>) dst(%dma_wait3A_179 : memref<10112x128xf32, #tpu.memory_space<vmem_shared>>)
          } else {
          }
          %add3A_80 = arith.constant 3 : i32
          %add3A_81 = arith.addi %add3A_62, %add3A_80 : i32
          %lt3A = arith.constant 40 : i32
          %lt3A_82 = arith.cmpi slt, %add3A_81, %lt3A : i32
          %convert_element_type3A_83 = arith.extui %lt3A_82 : i1 to i32
          %cond3A_84 = arith.constant 0 : i32
          %cond3A_85 = arith.cmpi ne, %convert_element_type3A_83, %cond3A_84 : i32
          scf.if %cond3A_85 {
            %add3A_173 = arith.constant 3 : i32
            %add3A_174 = arith.addi %add3A_62, %add3A_173 : i32
            %dma_start3A_175 = arith.constant 0 : i32
            %dma_start3A_176 = tpu.memref_slice %arg10[%add3A_174, %dma_start3A_175] : memref<40x64xi32, #tpu.memory_space<vmem>> -> memref<1x64xi32, #tpu.memory_space<vmem>>
            %dma_start3A_177 = tpu.memref_squeeze %dma_start3A_176 : memref<1x64xi32, #tpu.memory_space<vmem>> -> memref<64xi32, #tpu.memory_space<vmem>>
            %dma_start3A_178 = arith.constant 0 : i32
            %dma_start3A_179 = arith.constant 0 : i32
            %dma_start3A_180 = tpu.memref_slice %arg2[%dma_start3A_178, %dma_start3A_179] : memref<10000x128xf32, #tpu.memory_space<hbm>> -> memref<10000x128xf32, #tpu.memory_space<hbm>>
            tpu.enqueue_indirect_dma source(%dma_start3A_180 : memref<10000x128xf32, #tpu.memory_space<hbm>>) target(%arg15 : memref<64x128xf32, #tpu.memory_space<vmem>>) offsets(%dma_start3A_177 : memref<64xi32, #tpu.memory_space<vmem>>) semaphore(%arg19 : memref<!tpu.dma_semaphore, #tpu.memory_space<semaphore_mem>>)
          } else {
          }
          %mul3A_86 = arith.constant 4 : i32
          %mul3A_87 = arith.muli %mul3A_86, %scan3A_58 : i32
          %add3A_88 = arith.constant 1 : i32
          %add3A_89 = arith.addi %mul3A_87, %add3A_88 : i32
          %dma_wait3A_90 = arith.constant 0 : i32
          %dma_wait3A_91 = arith.constant 0 : i32
          %dma_wait3A_92 = tpu.memref_slice %arg10[%dma_wait3A_90, %dma_wait3A_91] : memref<40x64xi32, #tpu.memory_space<vmem>> -> memref<1x64xi32, #tpu.memory_space<vmem>>
          %dma_wait3A_93 = tpu.memref_squeeze %dma_wait3A_92 : memref<1x64xi32, #tpu.memory_space<vmem>> -> memref<64xi32, #tpu.memory_space<vmem>>
          %dma_wait3A_94 = arith.constant 0 : i32
          %dma_wait3A_95 = arith.constant 0 : i32
          %dma_wait3A_96 = tpu.memref_slice %arg2[%dma_wait3A_94, %dma_wait3A_95] : memref<10000x128xf32, #tpu.memory_space<hbm>> -> memref<10000x128xf32, #tpu.memory_space<hbm>>
          tpu.wait_indirect_dma semaphore(%arg17 : memref<!tpu.dma_semaphore, #tpu.memory_space<semaphore_mem>>) src(%dma_wait3A_96 : memref<10000x128xf32, #tpu.memory_space<hbm>>) dst(%arg13 : memref<64x128xf32, #tpu.memory_space<vmem>>)
          %dma_start3A_97 = arith.constant 0 : i32
          %dma_start3A_98 = tpu.memref_slice %arg11[%add3A_89, %dma_start3A_97] : memref<40x64xi32, #tpu.memory_space<vmem>> -> memref<1x64xi32, #tpu.memory_space<vmem>>
          %dma_start3A_99 = tpu.memref_squeeze %dma_start3A_98 : memref<1x64xi32, #tpu.memory_space<vmem>> -> memref<64xi32, #tpu.memory_space<vmem>>
          %dma_start3A_100 = arith.constant 0 : i32
          %dma_start3A_101 = arith.constant 0 : i32
          %dma_start3A_102 = tpu.memref_slice %arg9[%dma_start3A_100, %dma_start3A_101] : memref<10112x128xf32, #tpu.memory_space<vmem_shared>> -> memref<10112x128xf32, #tpu.memory_space<vmem_shared>>
          tpu.enqueue_indirect_dma source(%arg13 : memref<64x128xf32, #tpu.memory_space<vmem>>) target(%dma_start3A_102 : memref<10112x128xf32, #tpu.memory_space<vmem_shared>>) offsets(%dma_start3A_99 : memref<64xi32, #tpu.memory_space<vmem>>) semaphore(%arg21 : memref<!tpu.dma_semaphore, #tpu.memory_space<semaphore_mem>>) {add = true}
          %ge3A_103 = arith.constant 1 : i32
          %ge3A_104 = arith.cmpi sge, %add3A_89, %ge3A_103 : i32
          %convert_element_type3A_105 = arith.extui %ge3A_104 : i1 to i32
          %cond3A_106 = arith.constant 0 : i32
          %cond3A_107 = arith.cmpi ne, %convert_element_type3A_105, %cond3A_106 : i32
          scf.if %cond3A_107 {
            %dma_wait3A_173 = arith.constant 0 : i32
            %dma_wait3A_174 = arith.constant 0 : i32
            %dma_wait3A_175 = tpu.memref_slice %arg11[%dma_wait3A_173, %dma_wait3A_174] : memref<40x64xi32, #tpu.memory_space<vmem>> -> memref<1x64xi32, #tpu.memory_space<vmem>>
            %dma_wait3A_176 = tpu.memref_squeeze %dma_wait3A_175 : memref<1x64xi32, #tpu.memory_space<vmem>> -> memref<64xi32, #tpu.memory_space<vmem>>
            %dma_wait3A_177 = arith.constant 0 : i32
            %dma_wait3A_178 = arith.constant 0 : i32
            %dma_wait3A_179 = tpu.memref_slice %arg9[%dma_wait3A_177, %dma_wait3A_178] : memref<10112x128xf32, #tpu.memory_space<vmem_shared>> -> memref<10112x128xf32, #tpu.memory_space<vmem_shared>>
            tpu.wait_indirect_dma semaphore(%arg20 : memref<!tpu.dma_semaphore, #tpu.memory_space<semaphore_mem>>) src(%arg12 : memref<64x128xf32, #tpu.memory_space<vmem>>) dst(%dma_wait3A_179 : memref<10112x128xf32, #tpu.memory_space<vmem_shared>>)
          } else {
          }
          %add3A_108 = arith.constant 3 : i32
          %add3A_109 = arith.addi %add3A_89, %add3A_108 : i32
          %lt3A_110 = arith.constant 40 : i32
          %lt3A_111 = arith.cmpi slt, %add3A_109, %lt3A_110 : i32
          %convert_element_type3A_112 = arith.extui %lt3A_111 : i1 to i32
          %cond3A_113 = arith.constant 0 : i32
          %cond3A_114 = arith.cmpi ne, %convert_element_type3A_112, %cond3A_113 : i32
          scf.if %cond3A_114 {
            %add3A_173 = arith.constant 3 : i32
            %add3A_174 = arith.addi %add3A_89, %add3A_173 : i32
            %dma_start3A_175 = arith.constant 0 : i32
            %dma_start3A_176 = tpu.memref_slice %arg10[%add3A_174, %dma_start3A_175] : memref<40x64xi32, #tpu.memory_space<vmem>> -> memref<1x64xi32, #tpu.memory_space<vmem>>
            %dma_start3A_177 = tpu.memref_squeeze %dma_start3A_176 : memref<1x64xi32, #tpu.memory_space<vmem>> -> memref<64xi32, #tpu.memory_space<vmem>>
            %dma_start3A_178 = arith.constant 0 : i32
            %dma_start3A_179 = arith.constant 0 : i32
            %dma_start3A_180 = tpu.memref_slice %arg2[%dma_start3A_178, %dma_start3A_179] : memref<10000x128xf32, #tpu.memory_space<hbm>> -> memref<10000x128xf32, #tpu.memory_space<hbm>>
            tpu.enqueue_indirect_dma source(%dma_start3A_180 : memref<10000x128xf32, #tpu.memory_space<hbm>>) target(%arg12 : memref<64x128xf32, #tpu.memory_space<vmem>>) offsets(%dma_start3A_177 : memref<64xi32, #tpu.memory_space<vmem>>) semaphore(%arg16 : memref<!tpu.dma_semaphore, #tpu.memory_space<semaphore_mem>>)
          } else {
          }
          %mul3A_115 = arith.constant 4 : i32
          %mul3A_116 = arith.muli %mul3A_115, %scan3A_58 : i32
          %add3A_117 = arith.constant 2 : i32
          %add3A_118 = arith.addi %mul3A_116, %add3A_117 : i32
          %dma_wait3A_119 = arith.constant 0 : i32
          %dma_wait3A_120 = arith.constant 0 : i32
          %dma_wait3A_121 = tpu.memref_slice %arg10[%dma_wait3A_119, %dma_wait3A_120] : memref<40x64xi32, #tpu.memory_space<vmem>> -> memref<1x64xi32, #tpu.memory_space<vmem>>
          %dma_wait3A_122 = tpu.memref_squeeze %dma_wait3A_121 : memref<1x64xi32, #tpu.memory_space<vmem>> -> memref<64xi32, #tpu.memory_space<vmem>>
          %dma_wait3A_123 = arith.constant 0 : i32
          %dma_wait3A_124 = arith.constant 0 : i32
          %dma_wait3A_125 = tpu.memref_slice %arg2[%dma_wait3A_123, %dma_wait3A_124] : memref<10000x128xf32, #tpu.memory_space<hbm>> -> memref<10000x128xf32, #tpu.memory_space<hbm>>
          tpu.wait_indirect_dma semaphore(%arg18 : memref<!tpu.dma_semaphore, #tpu.memory_space<semaphore_mem>>) src(%dma_wait3A_125 : memref<10000x128xf32, #tpu.memory_space<hbm>>) dst(%arg14 : memref<64x128xf32, #tpu.memory_space<vmem>>)
          %dma_start3A_126 = arith.constant 0 : i32
          %dma_start3A_127 = tpu.memref_slice %arg11[%add3A_118, %dma_start3A_126] : memref<40x64xi32, #tpu.memory_space<vmem>> -> memref<1x64xi32, #tpu.memory_space<vmem>>
          %dma_start3A_128 = tpu.memref_squeeze %dma_start3A_127 : memref<1x64xi32, #tpu.memory_space<vmem>> -> memref<64xi32, #tpu.memory_space<vmem>>
          %dma_start3A_129 = arith.constant 0 : i32
          %dma_start3A_130 = arith.constant 0 : i32
          %dma_start3A_131 = tpu.memref_slice %arg9[%dma_start3A_129, %dma_start3A_130] : memref<10112x128xf32, #tpu.memory_space<vmem_shared>> -> memref<10112x128xf32, #tpu.memory_space<vmem_shared>>
          tpu.enqueue_indirect_dma source(%arg14 : memref<64x128xf32, #tpu.memory_space<vmem>>) target(%dma_start3A_131 : memref<10112x128xf32, #tpu.memory_space<vmem_shared>>) offsets(%dma_start3A_128 : memref<64xi32, #tpu.memory_space<vmem>>) semaphore(%arg22 : memref<!tpu.dma_semaphore, #tpu.memory_space<semaphore_mem>>) {add = true}
          %ge3A_132 = arith.constant 1 : i32
          %ge3A_133 = arith.cmpi sge, %add3A_118, %ge3A_132 : i32
          %convert_element_type3A_134 = arith.extui %ge3A_133 : i1 to i32
          %cond3A_135 = arith.constant 0 : i32
          %cond3A_136 = arith.cmpi ne, %convert_element_type3A_134, %cond3A_135 : i32
          scf.if %cond3A_136 {
            %dma_wait3A_173 = arith.constant 0 : i32
            %dma_wait3A_174 = arith.constant 0 : i32
            %dma_wait3A_175 = tpu.memref_slice %arg11[%dma_wait3A_173, %dma_wait3A_174] : memref<40x64xi32, #tpu.memory_space<vmem>> -> memref<1x64xi32, #tpu.memory_space<vmem>>
            %dma_wait3A_176 = tpu.memref_squeeze %dma_wait3A_175 : memref<1x64xi32, #tpu.memory_space<vmem>> -> memref<64xi32, #tpu.memory_space<vmem>>
            %dma_wait3A_177 = arith.constant 0 : i32
            %dma_wait3A_178 = arith.constant 0 : i32
            %dma_wait3A_179 = tpu.memref_slice %arg9[%dma_wait3A_177, %dma_wait3A_178] : memref<10112x128xf32, #tpu.memory_space<vmem_shared>> -> memref<10112x128xf32, #tpu.memory_space<vmem_shared>>
            tpu.wait_indirect_dma semaphore(%arg21 : memref<!tpu.dma_semaphore, #tpu.memory_space<semaphore_mem>>) src(%arg13 : memref<64x128xf32, #tpu.memory_space<vmem>>) dst(%dma_wait3A_179 : memref<10112x128xf32, #tpu.memory_space<vmem_shared>>)
          } else {
          }
          %add3A_137 = arith.constant 3 : i32
          %add3A_138 = arith.addi %add3A_118, %add3A_137 : i32
          %lt3A_139 = arith.constant 40 : i32
          %lt3A_140 = arith.cmpi slt, %add3A_138, %lt3A_139 : i32
          %convert_element_type3A_141 = arith.extui %lt3A_140 : i1 to i32
          %cond3A_142 = arith.constant 0 : i32
          %cond3A_143 = arith.cmpi ne, %convert_element_type3A_141, %cond3A_142 : i32
          scf.if %cond3A_143 {
            %add3A_173 = arith.constant 3 : i32
            %add3A_174 = arith.addi %add3A_118, %add3A_173 : i32
            %dma_start3A_175 = arith.constant 0 : i32
            %dma_start3A_176 = tpu.memref_slice %arg10[%add3A_174, %dma_start3A_175] : memref<40x64xi32, #tpu.memory_space<vmem>> -> memref<1x64xi32, #tpu.memory_space<vmem>>
            %dma_start3A_177 = tpu.memref_squeeze %dma_start3A_176 : memref<1x64xi32, #tpu.memory_space<vmem>> -> memref<64xi32, #tpu.memory_space<vmem>>
            %dma_start3A_178 = arith.constant 0 : i32
            %dma_start3A_179 = arith.constant 0 : i32
            %dma_start3A_180 = tpu.memref_slice %arg2[%dma_start3A_178, %dma_start3A_179] : memref<10000x128xf32, #tpu.memory_space<hbm>> -> memref<10000x128xf32, #tpu.memory_space<hbm>>
            tpu.enqueue_indirect_dma source(%dma_start3A_180 : memref<10000x128xf32, #tpu.memory_space<hbm>>) target(%arg13 : memref<64x128xf32, #tpu.memory_space<vmem>>) offsets(%dma_start3A_177 : memref<64xi32, #tpu.memory_space<vmem>>) semaphore(%arg17 : memref<!tpu.dma_semaphore, #tpu.memory_space<semaphore_mem>>)
          } else {
          }
          %mul3A_144 = arith.constant 4 : i32
          %mul3A_145 = arith.muli %mul3A_144, %scan3A_58 : i32
          %add3A_146 = arith.constant 3 : i32
          %add3A_147 = arith.addi %mul3A_145, %add3A_146 : i32
          %dma_wait3A_148 = arith.constant 0 : i32
          %dma_wait3A_149 = arith.constant 0 : i32
          %dma_wait3A_150 = tpu.memref_slice %arg10[%dma_wait3A_148, %dma_wait3A_149] : memref<40x64xi32, #tpu.memory_space<vmem>> -> memref<1x64xi32, #tpu.memory_space<vmem>>
          %dma_wait3A_151 = tpu.memref_squeeze %dma_wait3A_150 : memref<1x64xi32, #tpu.memory_space<vmem>> -> memref<64xi32, #tpu.memory_space<vmem>>
          %dma_wait3A_152 = arith.constant 0 : i32
          %dma_wait3A_153 = arith.constant 0 : i32
          %dma_wait3A_154 = tpu.memref_slice %arg2[%dma_wait3A_152, %dma_wait3A_153] : memref<10000x128xf32, #tpu.memory_space<hbm>> -> memref<10000x128xf32, #tpu.memory_space<hbm>>
          tpu.wait_indirect_dma semaphore(%arg19 : memref<!tpu.dma_semaphore, #tpu.memory_space<semaphore_mem>>) src(%dma_wait3A_154 : memref<10000x128xf32, #tpu.memory_space<hbm>>) dst(%arg15 : memref<64x128xf32, #tpu.memory_space<vmem>>)
          %dma_start3A_155 = arith.constant 0 : i32
          %dma_start3A_156 = tpu.memref_slice %arg11[%add3A_147, %dma_start3A_155] : memref<40x64xi32, #tpu.memory_space<vmem>> -> memref<1x64xi32, #tpu.memory_space<vmem>>
          %dma_start3A_157 = tpu.memref_squeeze %dma_start3A_156 : memref<1x64xi32, #tpu.memory_space<vmem>> -> memref<64xi32, #tpu.memory_space<vmem>>
          %dma_start3A_158 = arith.constant 0 : i32
          %dma_start3A_159 = arith.constant 0 : i32
          %dma_start3A_160 = tpu.memref_slice %arg9[%dma_start3A_158, %dma_start3A_159] : memref<10112x128xf32, #tpu.memory_space<vmem_shared>> -> memref<10112x128xf32, #tpu.memory_space<vmem_shared>>
          tpu.enqueue_indirect_dma source(%arg15 : memref<64x128xf32, #tpu.memory_space<vmem>>) target(%dma_start3A_160 : memref<10112x128xf32, #tpu.memory_space<vmem_shared>>) offsets(%dma_start3A_157 : memref<64xi32, #tpu.memory_space<vmem>>) semaphore(%arg23 : memref<!tpu.dma_semaphore, #tpu.memory_space<semaphore_mem>>) {add = true}
          %ge3A_161 = arith.constant 1 : i32
          %ge3A_162 = arith.cmpi sge, %add3A_147, %ge3A_161 : i32
          %convert_element_type3A_163 = arith.extui %ge3A_162 : i1 to i32
          %cond3A_164 = arith.constant 0 : i32
          %cond3A_165 = arith.cmpi ne, %convert_element_type3A_163, %cond3A_164 : i32
          scf.if %cond3A_165 {
            %dma_wait3A_173 = arith.constant 0 : i32
            %dma_wait3A_174 = arith.constant 0 : i32
            %dma_wait3A_175 = tpu.memref_slice %arg11[%dma_wait3A_173, %dma_wait3A_174] : memref<40x64xi32, #tpu.memory_space<vmem>> -> memref<1x64xi32, #tpu.memory_space<vmem>>
            %dma_wait3A_176 = tpu.memref_squeeze %dma_wait3A_175 : memref<1x64xi32, #tpu.memory_space<vmem>> -> memref<64xi32, #tpu.memory_space<vmem>>
            %dma_wait3A_177 = arith.constant 0 : i32
            %dma_wait3A_178 = arith.constant 0 : i32
            %dma_wait3A_179 = tpu.memref_slice %arg9[%dma_wait3A_177, %dma_wait3A_178] : memref<10112x128xf32, #tpu.memory_space<vmem_shared>> -> memref<10112x128xf32, #tpu.memory_space<vmem_shared>>
            tpu.wait_indirect_dma semaphore(%arg22 : memref<!tpu.dma_semaphore, #tpu.memory_space<semaphore_mem>>) src(%arg14 : memref<64x128xf32, #tpu.memory_space<vmem>>) dst(%dma_wait3A_179 : memref<10112x128xf32, #tpu.memory_space<vmem_shared>>)
          } else {
          }
          %add3A_166 = arith.constant 3 : i32
          %add3A_167 = arith.addi %add3A_147, %add3A_166 : i32
          %lt3A_168 = arith.constant 40 : i32
          %lt3A_169 = arith.cmpi slt, %add3A_167, %lt3A_168 : i32
          %convert_element_type3A_170 = arith.extui %lt3A_169 : i1 to i32
          %cond3A_171 = arith.constant 0 : i32
          %cond3A_172 = arith.cmpi ne, %convert_element_type3A_170, %cond3A_171 : i32
          scf.if %cond3A_172 {
            %add3A_173 = arith.constant 3 : i32
            %add3A_174 = arith.addi %add3A_147, %add3A_173 : i32
            %dma_start3A_175 = arith.constant 0 : i32
            %dma_start3A_176 = tpu.memref_slice %arg10[%add3A_174, %dma_start3A_175] : memref<40x64xi32, #tpu.memory_space<vmem>> -> memref<1x64xi32, #tpu.memory_space<vmem>>
            %dma_start3A_177 = tpu.memref_squeeze %dma_start3A_176 : memref<1x64xi32, #tpu.memory_space<vmem>> -> memref<64xi32, #tpu.memory_space<vmem>>
            %dma_start3A_178 = arith.constant 0 : i32
            %dma_start3A_179 = arith.constant 0 : i32
            %dma_start3A_180 = tpu.memref_slice %arg2[%dma_start3A_178, %dma_start3A_179] : memref<10000x128xf32, #tpu.memory_space<hbm>> -> memref<10000x128xf32, #tpu.memory_space<hbm>>
            tpu.enqueue_indirect_dma source(%dma_start3A_180 : memref<10000x128xf32, #tpu.memory_space<hbm>>) target(%arg14 : memref<64x128xf32, #tpu.memory_space<vmem>>) offsets(%dma_start3A_177 : memref<64xi32, #tpu.memory_space<vmem>>) semaphore(%arg18 : memref<!tpu.dma_semaphore, #tpu.memory_space<semaphore_mem>>)
          } else {
          }
        }
        %scan3A_51 = arith.constant 10 : i32
        %dma_wait3A = arith.constant 0 : i32
        %dma_wait3A_52 = arith.constant 0 : i32
        %dma_wait3A_53 = tpu.memref_slice %arg11[%dma_wait3A, %dma_wait3A_52] : memref<40x64xi32, #tpu.memory_space<vmem>> -> memref<1x64xi32, #tpu.memory_space<vmem>>
        %dma_wait3A_54 = tpu.memref_squeeze %dma_wait3A_53 : memref<1x64xi32, #tpu.memory_space<vmem>> -> memref<64xi32, #tpu.memory_space<vmem>>
        %dma_wait3A_55 = arith.constant 0 : i32
        %dma_wait3A_56 = arith.constant 0 : i32
        %dma_wait3A_57 = tpu.memref_slice %arg9[%dma_wait3A_55, %dma_wait3A_56] : memref<10112x128xf32, #tpu.memory_space<vmem_shared>> -> memref<10112x128xf32, #tpu.memory_space<vmem_shared>>
        tpu.wait_indirect_dma semaphore(%arg23 : memref<!tpu.dma_semaphore, #tpu.memory_space<semaphore_mem>>) src(%arg15 : memref<64x128xf32, #tpu.memory_space<vmem>>) dst(%dma_wait3A_57 : memref<10112x128xf32, #tpu.memory_space<vmem_shared>>)
      }
      %scan3A_14 = arith.constant 8 : i32
      %barrier3A_15 = arith.constant 0 : index
      tpu.barrier barrier_id(%barrier3A_15)
      %mul3A_16 = arith.constant 632 : i32
      %mul3A_17 = arith.muli %arg1, %mul3A_16 : i32
      %mul3A_18 = arith.constant 632 : i32
      %mul3A_19 = arith.muli %arg1, %mul3A_18 : i32
      "tpu.region"() ({
        %run_scoped3A = tpu.sem_alloc : memref<!tpu.dma_semaphore, #tpu.memory_space<semaphore_mem>>
        %dma_start3A = arith.constant 0 : i32
        %dma_start3A_20 = tpu.memref_slice %arg7[%mul3A_19, %dma_start3A] : memref<10112x128xf32, #tpu.memory_space<hbm>> -> memref<632x128xf32, #tpu.memory_space<hbm>>
        %dma_start3A_21 = arith.constant 0 : i32
        %dma_start3A_22 = tpu.memref_slice %arg9[%mul3A_17, %dma_start3A_21] : memref<10112x128xf32, #tpu.memory_space<vmem_shared>> -> memref<632x128xf32, #tpu.memory_space<vmem_shared>>
        tpu.enqueue_dma source(%dma_start3A_22 : memref<632x128xf32, #tpu.memory_space<vmem_shared>>) target(%dma_start3A_20 : memref<632x128xf32, #tpu.memory_space<hbm>>) target_semaphore(%run_scoped3A : memref<!tpu.dma_semaphore, #tpu.memory_space<semaphore_mem>>)
        %dma_wait3A = arith.constant 0 : i32
        %dma_wait3A_23 = tpu.memref_slice %arg7[%mul3A_19, %dma_wait3A] : memref<10112x128xf32, #tpu.memory_space<hbm>> -> memref<632x128xf32, #tpu.memory_space<hbm>>
        %dma_wait3A_24 = arith.constant 0 : i32
        %dma_wait3A_25 = tpu.memref_slice %arg9[%mul3A_17, %dma_wait3A_24] : memref<10112x128xf32, #tpu.memory_space<vmem_shared>> -> memref<632x128xf32, #tpu.memory_space<vmem_shared>>
        tpu.wait_dma2 semaphore(%run_scoped3A : memref<!tpu.dma_semaphore, #tpu.memory_space<semaphore_mem>>) src(%dma_wait3A_25 : memref<632x128xf32, #tpu.memory_space<vmem_shared>>) dst(%dma_wait3A_23 : memref<632x128xf32, #tpu.memory_space<hbm>>)
        tpu.yield
      }) : () -> ()
    } else {
    }
    %eq3A_5 = arith.constant 1 : i32
    %eq3A_6 = arith.cmpi eq, %arg0, %eq3A_5 : i32
    %convert_element_type3A_7 = arith.extui %eq3A_6 : i1 to i32
    %cond3A_8 = arith.constant 0 : i32
    %cond3A_9 = arith.cmpi ne, %convert_element_type3A_7, %cond3A_8 : i32
    scf.if %cond3A_9 {
      %scan3A = arith.constant 0 : i32
      %scan3A_10 = arith.constant 0 : i32
      %scan3A_11 = arith.constant 8 : i32
      %scan3A_12 = arith.addi %scan3A_10, %scan3A_11 : i32
      %scan3A_13 = arith.constant 1 : i32
      scf.for %scan3A_20 = %scan3A_10 to %scan3A_12 step %scan3A_13  : i32 {
        %mul3A_21 = arith.constant 40 : i32
        %mul3A_22 = arith.muli %scan3A_20, %mul3A_21 : i32
        %add3A = arith.addi %mul3A_2, %mul3A_22 : i32
        "tpu.region"() ({
          %run_scoped3A = tpu.sem_alloc : memref<!tpu.dma_semaphore, #tpu.memory_space<semaphore_mem>>
          %dma_start3A_58 = arith.constant 0 : i32
          %dma_start3A_59 = tpu.memref_slice %arg4[%add3A, %dma_start3A_58] : memref<5120x64xi32, #tpu.memory_space<hbm>> -> memref<40x64xi32, #tpu.memory_space<hbm>>
          %dma_start3A_60 = arith.constant 0 : i32
          %dma_start3A_61 = tpu.memref_slice %arg4[%add3A, %dma_start3A_60] : memref<5120x64xi32, #tpu.memory_space<hbm>> -> memref<40x64xi32, #tpu.memory_space<hbm>>
          tpu.enqueue_dma source(%dma_start3A_61 : memref<40x64xi32, #tpu.memory_space<hbm>>) target(%arg10 : memref<40x64xi32, #tpu.memory_space<vmem>>) target_semaphore(%run_scoped3A : memref<!tpu.dma_semaphore, #tpu.memory_space<semaphore_mem>>)
          %dma_wait3A_62 = arith.constant 0 : i32
          %dma_wait3A_63 = tpu.memref_slice %arg4[%add3A, %dma_wait3A_62] : memref<5120x64xi32, #tpu.memory_space<hbm>> -> memref<40x64xi32, #tpu.memory_space<hbm>>
          %dma_wait3A_64 = arith.constant 0 : i32
          %dma_wait3A_65 = tpu.memref_slice %arg4[%add3A, %dma_wait3A_64] : memref<5120x64xi32, #tpu.memory_space<hbm>> -> memref<40x64xi32, #tpu.memory_space<hbm>>
          tpu.wait_dma2 semaphore(%run_scoped3A : memref<!tpu.dma_semaphore, #tpu.memory_space<semaphore_mem>>) src(%dma_wait3A_65 : memref<40x64xi32, #tpu.memory_space<hbm>>) dst(%arg10 : memref<40x64xi32, #tpu.memory_space<vmem>>)
          tpu.yield
        }) : () -> ()
        %mul3A_23 = arith.constant 40 : i32
        %mul3A_24 = arith.muli %scan3A_20, %mul3A_23 : i32
        %add3A_25 = arith.addi %mul3A_2, %mul3A_24 : i32
        "tpu.region"() ({
          %run_scoped3A = tpu.sem_alloc : memref<!tpu.dma_semaphore, #tpu.memory_space<semaphore_mem>>
          %dma_start3A_58 = arith.constant 0 : i32
          %dma_start3A_59 = tpu.memref_slice %arg5[%add3A_25, %dma_start3A_58] : memref<5120x64xi32, #tpu.memory_space<hbm>> -> memref<40x64xi32, #tpu.memory_space<hbm>>
          %dma_start3A_60 = arith.constant 0 : i32
          %dma_start3A_61 = tpu.memref_slice %arg5[%add3A_25, %dma_start3A_60] : memref<5120x64xi32, #tpu.memory_space<hbm>> -> memref<40x64xi32, #tpu.memory_space<hbm>>
          tpu.enqueue_dma source(%dma_start3A_61 : memref<40x64xi32, #tpu.memory_space<hbm>>) target(%arg11 : memref<40x64xi32, #tpu.memory_space<vmem>>) target_semaphore(%run_scoped3A : memref<!tpu.dma_semaphore, #tpu.memory_space<semaphore_mem>>)
          %dma_wait3A_62 = arith.constant 0 : i32
          %dma_wait3A_63 = tpu.memref_slice %arg5[%add3A_25, %dma_wait3A_62] : memref<5120x64xi32, #tpu.memory_space<hbm>> -> memref<40x64xi32, #tpu.memory_space<hbm>>
          %dma_wait3A_64 = arith.constant 0 : i32
          %dma_wait3A_65 = tpu.memref_slice %arg5[%add3A_25, %dma_wait3A_64] : memref<5120x64xi32, #tpu.memory_space<hbm>> -> memref<40x64xi32, #tpu.memory_space<hbm>>
          tpu.wait_dma2 semaphore(%run_scoped3A : memref<!tpu.dma_semaphore, #tpu.memory_space<semaphore_mem>>) src(%dma_wait3A_65 : memref<40x64xi32, #tpu.memory_space<hbm>>) dst(%arg11 : memref<40x64xi32, #tpu.memory_space<vmem>>)
          tpu.yield
        }) : () -> ()
        %dma_start3A = arith.constant 0 : i32
        %dma_start3A_26 = arith.constant 0 : i32
        %dma_start3A_27 = tpu.memref_slice %arg10[%dma_start3A, %dma_start3A_26] : memref<40x64xi32, #tpu.memory_space<vmem>> -> memref<1x64xi32, #tpu.memory_space<vmem>>
        %dma_start3A_28 = tpu.memref_squeeze %dma_start3A_27 : memref<1x64xi32, #tpu.memory_space<vmem>> -> memref<64xi32, #tpu.memory_space<vmem>>
        %dma_start3A_29 = arith.constant 0 : i32
        %dma_start3A_30 = arith.constant 0 : i32
        %dma_start3A_31 = tpu.memref_slice %arg3[%dma_start3A_29, %dma_start3A_30] : memref<10000x128xf32, #tpu.memory_space<hbm>> -> memref<10000x128xf32, #tpu.memory_space<hbm>>
        tpu.enqueue_indirect_dma source(%dma_start3A_31 : memref<10000x128xf32, #tpu.memory_space<hbm>>) target(%arg12 : memref<64x128xf32, #tpu.memory_space<vmem>>) offsets(%dma_start3A_28 : memref<64xi32, #tpu.memory_space<vmem>>) semaphore(%arg16 : memref<!tpu.dma_semaphore, #tpu.memory_space<semaphore_mem>>)
        %dma_start3A_32 = arith.constant 1 : i32
        %dma_start3A_33 = arith.constant 0 : i32
        %dma_start3A_34 = tpu.memref_slice %arg10[%dma_start3A_32, %dma_start3A_33] : memref<40x64xi32, #tpu.memory_space<vmem>> -> memref<1x64xi32, #tpu.memory_space<vmem>>
        %dma_start3A_35 = tpu.memref_squeeze %dma_start3A_34 : memref<1x64xi32, #tpu.memory_space<vmem>> -> memref<64xi32, #tpu.memory_space<vmem>>
        %dma_start3A_36 = arith.constant 0 : i32
        %dma_start3A_37 = arith.constant 0 : i32
        %dma_start3A_38 = tpu.memref_slice %arg3[%dma_start3A_36, %dma_start3A_37] : memref<10000x128xf32, #tpu.memory_space<hbm>> -> memref<10000x128xf32, #tpu.memory_space<hbm>>
        tpu.enqueue_indirect_dma source(%dma_start3A_38 : memref<10000x128xf32, #tpu.memory_space<hbm>>) target(%arg13 : memref<64x128xf32, #tpu.memory_space<vmem>>) offsets(%dma_start3A_35 : memref<64xi32, #tpu.memory_space<vmem>>) semaphore(%arg17 : memref<!tpu.dma_semaphore, #tpu.memory_space<semaphore_mem>>)
        %dma_start3A_39 = arith.constant 2 : i32
        %dma_start3A_40 = arith.constant 0 : i32
        %dma_start3A_41 = tpu.memref_slice %arg10[%dma_start3A_39, %dma_start3A_40] : memref<40x64xi32, #tpu.memory_space<vmem>> -> memref<1x64xi32, #tpu.memory_space<vmem>>
        %dma_start3A_42 = tpu.memref_squeeze %dma_start3A_41 : memref<1x64xi32, #tpu.memory_space<vmem>> -> memref<64xi32, #tpu.memory_space<vmem>>
        %dma_start3A_43 = arith.constant 0 : i32
        %dma_start3A_44 = arith.constant 0 : i32
        %dma_start3A_45 = tpu.memref_slice %arg3[%dma_start3A_43, %dma_start3A_44] : memref<10000x128xf32, #tpu.memory_space<hbm>> -> memref<10000x128xf32, #tpu.memory_space<hbm>>
        tpu.enqueue_indirect_dma source(%dma_start3A_45 : memref<10000x128xf32, #tpu.memory_space<hbm>>) target(%arg14 : memref<64x128xf32, #tpu.memory_space<vmem>>) offsets(%dma_start3A_42 : memref<64xi32, #tpu.memory_space<vmem>>) semaphore(%arg18 : memref<!tpu.dma_semaphore, #tpu.memory_space<semaphore_mem>>)
        %scan3A_46 = arith.constant 0 : i32
        %scan3A_47 = arith.constant 0 : i32
        %scan3A_48 = arith.constant 10 : i32
        %scan3A_49 = arith.addi %scan3A_47, %scan3A_48 : i32
        %scan3A_50 = arith.constant 1 : i32
        scf.for %scan3A_58 = %scan3A_47 to %scan3A_49 step %scan3A_50  : i32 {
          %mul3A_59 = arith.constant 4 : i32
          %mul3A_60 = arith.muli %mul3A_59, %scan3A_58 : i32
          %add3A_61 = arith.constant 0 : i32
          %add3A_62 = arith.addi %mul3A_60, %add3A_61 : i32
          %dma_wait3A_63 = arith.constant 0 : i32
          %dma_wait3A_64 = arith.constant 0 : i32
          %dma_wait3A_65 = tpu.memref_slice %arg10[%dma_wait3A_63, %dma_wait3A_64] : memref<40x64xi32, #tpu.memory_space<vmem>> -> memref<1x64xi32, #tpu.memory_space<vmem>>
          %dma_wait3A_66 = tpu.memref_squeeze %dma_wait3A_65 : memref<1x64xi32, #tpu.memory_space<vmem>> -> memref<64xi32, #tpu.memory_space<vmem>>
          %dma_wait3A_67 = arith.constant 0 : i32
          %dma_wait3A_68 = arith.constant 0 : i32
          %dma_wait3A_69 = tpu.memref_slice %arg3[%dma_wait3A_67, %dma_wait3A_68] : memref<10000x128xf32, #tpu.memory_space<hbm>> -> memref<10000x128xf32, #tpu.memory_space<hbm>>
          tpu.wait_indirect_dma semaphore(%arg16 : memref<!tpu.dma_semaphore, #tpu.memory_space<semaphore_mem>>) src(%dma_wait3A_69 : memref<10000x128xf32, #tpu.memory_space<hbm>>) dst(%arg12 : memref<64x128xf32, #tpu.memory_space<vmem>>)
          %dma_start3A_70 = arith.constant 0 : i32
          %dma_start3A_71 = tpu.memref_slice %arg11[%add3A_62, %dma_start3A_70] : memref<40x64xi32, #tpu.memory_space<vmem>> -> memref<1x64xi32, #tpu.memory_space<vmem>>
          %dma_start3A_72 = tpu.memref_squeeze %dma_start3A_71 : memref<1x64xi32, #tpu.memory_space<vmem>> -> memref<64xi32, #tpu.memory_space<vmem>>
          %dma_start3A_73 = arith.constant 0 : i32
          %dma_start3A_74 = arith.constant 0 : i32
          %dma_start3A_75 = tpu.memref_slice %arg9[%dma_start3A_73, %dma_start3A_74] : memref<10112x128xf32, #tpu.memory_space<vmem_shared>> -> memref<10112x128xf32, #tpu.memory_space<vmem_shared>>
          tpu.enqueue_indirect_dma source(%arg12 : memref<64x128xf32, #tpu.memory_space<vmem>>) target(%dma_start3A_75 : memref<10112x128xf32, #tpu.memory_space<vmem_shared>>) offsets(%dma_start3A_72 : memref<64xi32, #tpu.memory_space<vmem>>) semaphore(%arg20 : memref<!tpu.dma_semaphore, #tpu.memory_space<semaphore_mem>>) {add = true}
          %ge3A = arith.constant 1 : i32
          %ge3A_76 = arith.cmpi sge, %add3A_62, %ge3A : i32
          %convert_element_type3A_77 = arith.extui %ge3A_76 : i1 to i32
          %cond3A_78 = arith.constant 0 : i32
          %cond3A_79 = arith.cmpi ne, %convert_element_type3A_77, %cond3A_78 : i32
          scf.if %cond3A_79 {
            %dma_wait3A_173 = arith.constant 0 : i32
            %dma_wait3A_174 = arith.constant 0 : i32
            %dma_wait3A_175 = tpu.memref_slice %arg11[%dma_wait3A_173, %dma_wait3A_174] : memref<40x64xi32, #tpu.memory_space<vmem>> -> memref<1x64xi32, #tpu.memory_space<vmem>>
            %dma_wait3A_176 = tpu.memref_squeeze %dma_wait3A_175 : memref<1x64xi32, #tpu.memory_space<vmem>> -> memref<64xi32, #tpu.memory_space<vmem>>
            %dma_wait3A_177 = arith.constant 0 : i32
            %dma_wait3A_178 = arith.constant 0 : i32
            %dma_wait3A_179 = tpu.memref_slice %arg9[%dma_wait3A_177, %dma_wait3A_178] : memref<10112x128xf32, #tpu.memory_space<vmem_shared>> -> memref<10112x128xf32, #tpu.memory_space<vmem_shared>>
            tpu.wait_indirect_dma semaphore(%arg23 : memref<!tpu.dma_semaphore, #tpu.memory_space<semaphore_mem>>) src(%arg15 : memref<64x128xf32, #tpu.memory_space<vmem>>) dst(%dma_wait3A_179 : memref<10112x128xf32, #tpu.memory_space<vmem_shared>>)
          } else {
          }
          %add3A_80 = arith.constant 3 : i32
          %add3A_81 = arith.addi %add3A_62, %add3A_80 : i32
          %lt3A = arith.constant 40 : i32
          %lt3A_82 = arith.cmpi slt, %add3A_81, %lt3A : i32
          %convert_element_type3A_83 = arith.extui %lt3A_82 : i1 to i32
          %cond3A_84 = arith.constant 0 : i32
          %cond3A_85 = arith.cmpi ne, %convert_element_type3A_83, %cond3A_84 : i32
          scf.if %cond3A_85 {
            %add3A_173 = arith.constant 3 : i32
            %add3A_174 = arith.addi %add3A_62, %add3A_173 : i32
            %dma_start3A_175 = arith.constant 0 : i32
            %dma_start3A_176 = tpu.memref_slice %arg10[%add3A_174, %dma_start3A_175] : memref<40x64xi32, #tpu.memory_space<vmem>> -> memref<1x64xi32, #tpu.memory_space<vmem>>
            %dma_start3A_177 = tpu.memref_squeeze %dma_start3A_176 : memref<1x64xi32, #tpu.memory_space<vmem>> -> memref<64xi32, #tpu.memory_space<vmem>>
            %dma_start3A_178 = arith.constant 0 : i32
            %dma_start3A_179 = arith.constant 0 : i32
            %dma_start3A_180 = tpu.memref_slice %arg3[%dma_start3A_178, %dma_start3A_179] : memref<10000x128xf32, #tpu.memory_space<hbm>> -> memref<10000x128xf32, #tpu.memory_space<hbm>>
            tpu.enqueue_indirect_dma source(%dma_start3A_180 : memref<10000x128xf32, #tpu.memory_space<hbm>>) target(%arg15 : memref<64x128xf32, #tpu.memory_space<vmem>>) offsets(%dma_start3A_177 : memref<64xi32, #tpu.memory_space<vmem>>) semaphore(%arg19 : memref<!tpu.dma_semaphore, #tpu.memory_space<semaphore_mem>>)
          } else {
          }
          %mul3A_86 = arith.constant 4 : i32
          %mul3A_87 = arith.muli %mul3A_86, %scan3A_58 : i32
          %add3A_88 = arith.constant 1 : i32
          %add3A_89 = arith.addi %mul3A_87, %add3A_88 : i32
          %dma_wait3A_90 = arith.constant 0 : i32
          %dma_wait3A_91 = arith.constant 0 : i32
          %dma_wait3A_92 = tpu.memref_slice %arg10[%dma_wait3A_90, %dma_wait3A_91] : memref<40x64xi32, #tpu.memory_space<vmem>> -> memref<1x64xi32, #tpu.memory_space<vmem>>
          %dma_wait3A_93 = tpu.memref_squeeze %dma_wait3A_92 : memref<1x64xi32, #tpu.memory_space<vmem>> -> memref<64xi32, #tpu.memory_space<vmem>>
          %dma_wait3A_94 = arith.constant 0 : i32
          %dma_wait3A_95 = arith.constant 0 : i32
          %dma_wait3A_96 = tpu.memref_slice %arg3[%dma_wait3A_94, %dma_wait3A_95] : memref<10000x128xf32, #tpu.memory_space<hbm>> -> memref<10000x128xf32, #tpu.memory_space<hbm>>
          tpu.wait_indirect_dma semaphore(%arg17 : memref<!tpu.dma_semaphore, #tpu.memory_space<semaphore_mem>>) src(%dma_wait3A_96 : memref<10000x128xf32, #tpu.memory_space<hbm>>) dst(%arg13 : memref<64x128xf32, #tpu.memory_space<vmem>>)
          %dma_start3A_97 = arith.constant 0 : i32
          %dma_start3A_98 = tpu.memref_slice %arg11[%add3A_89, %dma_start3A_97] : memref<40x64xi32, #tpu.memory_space<vmem>> -> memref<1x64xi32, #tpu.memory_space<vmem>>
          %dma_start3A_99 = tpu.memref_squeeze %dma_start3A_98 : memref<1x64xi32, #tpu.memory_space<vmem>> -> memref<64xi32, #tpu.memory_space<vmem>>
          %dma_start3A_100 = arith.constant 0 : i32
          %dma_start3A_101 = arith.constant 0 : i32
          %dma_start3A_102 = tpu.memref_slice %arg9[%dma_start3A_100, %dma_start3A_101] : memref<10112x128xf32, #tpu.memory_space<vmem_shared>> -> memref<10112x128xf32, #tpu.memory_space<vmem_shared>>
          tpu.enqueue_indirect_dma source(%arg13 : memref<64x128xf32, #tpu.memory_space<vmem>>) target(%dma_start3A_102 : memref<10112x128xf32, #tpu.memory_space<vmem_shared>>) offsets(%dma_start3A_99 : memref<64xi32, #tpu.memory_space<vmem>>) semaphore(%arg21 : memref<!tpu.dma_semaphore, #tpu.memory_space<semaphore_mem>>) {add = true}
          %ge3A_103 = arith.constant 1 : i32
          %ge3A_104 = arith.cmpi sge, %add3A_89, %ge3A_103 : i32
          %convert_element_type3A_105 = arith.extui %ge3A_104 : i1 to i32
          %cond3A_106 = arith.constant 0 : i32
          %cond3A_107 = arith.cmpi ne, %convert_element_type3A_105, %cond3A_106 : i32
          scf.if %cond3A_107 {
            %dma_wait3A_173 = arith.constant 0 : i32
            %dma_wait3A_174 = arith.constant 0 : i32
            %dma_wait3A_175 = tpu.memref_slice %arg11[%dma_wait3A_173, %dma_wait3A_174] : memref<40x64xi32, #tpu.memory_space<vmem>> -> memref<1x64xi32, #tpu.memory_space<vmem>>
            %dma_wait3A_176 = tpu.memref_squeeze %dma_wait3A_175 : memref<1x64xi32, #tpu.memory_space<vmem>> -> memref<64xi32, #tpu.memory_space<vmem>>
            %dma_wait3A_177 = arith.constant 0 : i32
            %dma_wait3A_178 = arith.constant 0 : i32
            %dma_wait3A_179 = tpu.memref_slice %arg9[%dma_wait3A_177, %dma_wait3A_178] : memref<10112x128xf32, #tpu.memory_space<vmem_shared>> -> memref<10112x128xf32, #tpu.memory_space<vmem_shared>>
            tpu.wait_indirect_dma semaphore(%arg20 : memref<!tpu.dma_semaphore, #tpu.memory_space<semaphore_mem>>) src(%arg12 : memref<64x128xf32, #tpu.memory_space<vmem>>) dst(%dma_wait3A_179 : memref<10112x128xf32, #tpu.memory_space<vmem_shared>>)
          } else {
          }
          %add3A_108 = arith.constant 3 : i32
          %add3A_109 = arith.addi %add3A_89, %add3A_108 : i32
          %lt3A_110 = arith.constant 40 : i32
          %lt3A_111 = arith.cmpi slt, %add3A_109, %lt3A_110 : i32
          %convert_element_type3A_112 = arith.extui %lt3A_111 : i1 to i32
          %cond3A_113 = arith.constant 0 : i32
          %cond3A_114 = arith.cmpi ne, %convert_element_type3A_112, %cond3A_113 : i32
          scf.if %cond3A_114 {
            %add3A_173 = arith.constant 3 : i32
            %add3A_174 = arith.addi %add3A_89, %add3A_173 : i32
            %dma_start3A_175 = arith.constant 0 : i32
            %dma_start3A_176 = tpu.memref_slice %arg10[%add3A_174, %dma_start3A_175] : memref<40x64xi32, #tpu.memory_space<vmem>> -> memref<1x64xi32, #tpu.memory_space<vmem>>
            %dma_start3A_177 = tpu.memref_squeeze %dma_start3A_176 : memref<1x64xi32, #tpu.memory_space<vmem>> -> memref<64xi32, #tpu.memory_space<vmem>>
            %dma_start3A_178 = arith.constant 0 : i32
            %dma_start3A_179 = arith.constant 0 : i32
            %dma_start3A_180 = tpu.memref_slice %arg3[%dma_start3A_178, %dma_start3A_179] : memref<10000x128xf32, #tpu.memory_space<hbm>> -> memref<10000x128xf32, #tpu.memory_space<hbm>>
            tpu.enqueue_indirect_dma source(%dma_start3A_180 : memref<10000x128xf32, #tpu.memory_space<hbm>>) target(%arg12 : memref<64x128xf32, #tpu.memory_space<vmem>>) offsets(%dma_start3A_177 : memref<64xi32, #tpu.memory_space<vmem>>) semaphore(%arg16 : memref<!tpu.dma_semaphore, #tpu.memory_space<semaphore_mem>>)
          } else {
          }
          %mul3A_115 = arith.constant 4 : i32
          %mul3A_116 = arith.muli %mul3A_115, %scan3A_58 : i32
          %add3A_117 = arith.constant 2 : i32
          %add3A_118 = arith.addi %mul3A_116, %add3A_117 : i32
          %dma_wait3A_119 = arith.constant 0 : i32
          %dma_wait3A_120 = arith.constant 0 : i32
          %dma_wait3A_121 = tpu.memref_slice %arg10[%dma_wait3A_119, %dma_wait3A_120] : memref<40x64xi32, #tpu.memory_space<vmem>> -> memref<1x64xi32, #tpu.memory_space<vmem>>
          %dma_wait3A_122 = tpu.memref_squeeze %dma_wait3A_121 : memref<1x64xi32, #tpu.memory_space<vmem>> -> memref<64xi32, #tpu.memory_space<vmem>>
          %dma_wait3A_123 = arith.constant 0 : i32
          %dma_wait3A_124 = arith.constant 0 : i32
          %dma_wait3A_125 = tpu.memref_slice %arg3[%dma_wait3A_123, %dma_wait3A_124] : memref<10000x128xf32, #tpu.memory_space<hbm>> -> memref<10000x128xf32, #tpu.memory_space<hbm>>
          tpu.wait_indirect_dma semaphore(%arg18 : memref<!tpu.dma_semaphore, #tpu.memory_space<semaphore_mem>>) src(%dma_wait3A_125 : memref<10000x128xf32, #tpu.memory_space<hbm>>) dst(%arg14 : memref<64x128xf32, #tpu.memory_space<vmem>>)
          %dma_start3A_126 = arith.constant 0 : i32
          %dma_start3A_127 = tpu.memref_slice %arg11[%add3A_118, %dma_start3A_126] : memref<40x64xi32, #tpu.memory_space<vmem>> -> memref<1x64xi32, #tpu.memory_space<vmem>>
          %dma_start3A_128 = tpu.memref_squeeze %dma_start3A_127 : memref<1x64xi32, #tpu.memory_space<vmem>> -> memref<64xi32, #tpu.memory_space<vmem>>
          %dma_start3A_129 = arith.constant 0 : i32
          %dma_start3A_130 = arith.constant 0 : i32
          %dma_start3A_131 = tpu.memref_slice %arg9[%dma_start3A_129, %dma_start3A_130] : memref<10112x128xf32, #tpu.memory_space<vmem_shared>> -> memref<10112x128xf32, #tpu.memory_space<vmem_shared>>
          tpu.enqueue_indirect_dma source(%arg14 : memref<64x128xf32, #tpu.memory_space<vmem>>) target(%dma_start3A_131 : memref<10112x128xf32, #tpu.memory_space<vmem_shared>>) offsets(%dma_start3A_128 : memref<64xi32, #tpu.memory_space<vmem>>) semaphore(%arg22 : memref<!tpu.dma_semaphore, #tpu.memory_space<semaphore_mem>>) {add = true}
          %ge3A_132 = arith.constant 1 : i32
          %ge3A_133 = arith.cmpi sge, %add3A_118, %ge3A_132 : i32
          %convert_element_type3A_134 = arith.extui %ge3A_133 : i1 to i32
          %cond3A_135 = arith.constant 0 : i32
          %cond3A_136 = arith.cmpi ne, %convert_element_type3A_134, %cond3A_135 : i32
          scf.if %cond3A_136 {
            %dma_wait3A_173 = arith.constant 0 : i32
            %dma_wait3A_174 = arith.constant 0 : i32
            %dma_wait3A_175 = tpu.memref_slice %arg11[%dma_wait3A_173, %dma_wait3A_174] : memref<40x64xi32, #tpu.memory_space<vmem>> -> memref<1x64xi32, #tpu.memory_space<vmem>>
            %dma_wait3A_176 = tpu.memref_squeeze %dma_wait3A_175 : memref<1x64xi32, #tpu.memory_space<vmem>> -> memref<64xi32, #tpu.memory_space<vmem>>
            %dma_wait3A_177 = arith.constant 0 : i32
            %dma_wait3A_178 = arith.constant 0 : i32
            %dma_wait3A_179 = tpu.memref_slice %arg9[%dma_wait3A_177, %dma_wait3A_178] : memref<10112x128xf32, #tpu.memory_space<vmem_shared>> -> memref<10112x128xf32, #tpu.memory_space<vmem_shared>>
            tpu.wait_indirect_dma semaphore(%arg21 : memref<!tpu.dma_semaphore, #tpu.memory_space<semaphore_mem>>) src(%arg13 : memref<64x128xf32, #tpu.memory_space<vmem>>) dst(%dma_wait3A_179 : memref<10112x128xf32, #tpu.memory_space<vmem_shared>>)
          } else {
          }
          %add3A_137 = arith.constant 3 : i32
          %add3A_138 = arith.addi %add3A_118, %add3A_137 : i32
          %lt3A_139 = arith.constant 40 : i32
          %lt3A_140 = arith.cmpi slt, %add3A_138, %lt3A_139 : i32
          %convert_element_type3A_141 = arith.extui %lt3A_140 : i1 to i32
          %cond3A_142 = arith.constant 0 : i32
          %cond3A_143 = arith.cmpi ne, %convert_element_type3A_141, %cond3A_142 : i32
          scf.if %cond3A_143 {
            %add3A_173 = arith.constant 3 : i32
            %add3A_174 = arith.addi %add3A_118, %add3A_173 : i32
            %dma_start3A_175 = arith.constant 0 : i32
            %dma_start3A_176 = tpu.memref_slice %arg10[%add3A_174, %dma_start3A_175] : memref<40x64xi32, #tpu.memory_space<vmem>> -> memref<1x64xi32, #tpu.memory_space<vmem>>
            %dma_start3A_177 = tpu.memref_squeeze %dma_start3A_176 : memref<1x64xi32, #tpu.memory_space<vmem>> -> memref<64xi32, #tpu.memory_space<vmem>>
            %dma_start3A_178 = arith.constant 0 : i32
            %dma_start3A_179 = arith.constant 0 : i32
            %dma_start3A_180 = tpu.memref_slice %arg3[%dma_start3A_178, %dma_start3A_179] : memref<10000x128xf32, #tpu.memory_space<hbm>> -> memref<10000x128xf32, #tpu.memory_space<hbm>>
            tpu.enqueue_indirect_dma source(%dma_start3A_180 : memref<10000x128xf32, #tpu.memory_space<hbm>>) target(%arg13 : memref<64x128xf32, #tpu.memory_space<vmem>>) offsets(%dma_start3A_177 : memref<64xi32, #tpu.memory_space<vmem>>) semaphore(%arg17 : memref<!tpu.dma_semaphore, #tpu.memory_space<semaphore_mem>>)
          } else {
          }
          %mul3A_144 = arith.constant 4 : i32
          %mul3A_145 = arith.muli %mul3A_144, %scan3A_58 : i32
          %add3A_146 = arith.constant 3 : i32
          %add3A_147 = arith.addi %mul3A_145, %add3A_146 : i32
          %dma_wait3A_148 = arith.constant 0 : i32
          %dma_wait3A_149 = arith.constant 0 : i32
          %dma_wait3A_150 = tpu.memref_slice %arg10[%dma_wait3A_148, %dma_wait3A_149] : memref<40x64xi32, #tpu.memory_space<vmem>> -> memref<1x64xi32, #tpu.memory_space<vmem>>
          %dma_wait3A_151 = tpu.memref_squeeze %dma_wait3A_150 : memref<1x64xi32, #tpu.memory_space<vmem>> -> memref<64xi32, #tpu.memory_space<vmem>>
          %dma_wait3A_152 = arith.constant 0 : i32
          %dma_wait3A_153 = arith.constant 0 : i32
          %dma_wait3A_154 = tpu.memref_slice %arg3[%dma_wait3A_152, %dma_wait3A_153] : memref<10000x128xf32, #tpu.memory_space<hbm>> -> memref<10000x128xf32, #tpu.memory_space<hbm>>
          tpu.wait_indirect_dma semaphore(%arg19 : memref<!tpu.dma_semaphore, #tpu.memory_space<semaphore_mem>>) src(%dma_wait3A_154 : memref<10000x128xf32, #tpu.memory_space<hbm>>) dst(%arg15 : memref<64x128xf32, #tpu.memory_space<vmem>>)
          %dma_start3A_155 = arith.constant 0 : i32
          %dma_start3A_156 = tpu.memref_slice %arg11[%add3A_147, %dma_start3A_155] : memref<40x64xi32, #tpu.memory_space<vmem>> -> memref<1x64xi32, #tpu.memory_space<vmem>>
          %dma_start3A_157 = tpu.memref_squeeze %dma_start3A_156 : memref<1x64xi32, #tpu.memory_space<vmem>> -> memref<64xi32, #tpu.memory_space<vmem>>
          %dma_start3A_158 = arith.constant 0 : i32
          %dma_start3A_159 = arith.constant 0 : i32
          %dma_start3A_160 = tpu.memref_slice %arg9[%dma_start3A_158, %dma_start3A_159] : memref<10112x128xf32, #tpu.memory_space<vmem_shared>> -> memref<10112x128xf32, #tpu.memory_space<vmem_shared>>
          tpu.enqueue_indirect_dma source(%arg15 : memref<64x128xf32, #tpu.memory_space<vmem>>) target(%dma_start3A_160 : memref<10112x128xf32, #tpu.memory_space<vmem_shared>>) offsets(%dma_start3A_157 : memref<64xi32, #tpu.memory_space<vmem>>) semaphore(%arg23 : memref<!tpu.dma_semaphore, #tpu.memory_space<semaphore_mem>>) {add = true}
          %ge3A_161 = arith.constant 1 : i32
          %ge3A_162 = arith.cmpi sge, %add3A_147, %ge3A_161 : i32
          %convert_element_type3A_163 = arith.extui %ge3A_162 : i1 to i32
          %cond3A_164 = arith.constant 0 : i32
          %cond3A_165 = arith.cmpi ne, %convert_element_type3A_163, %cond3A_164 : i32
          scf.if %cond3A_165 {
            %dma_wait3A_173 = arith.constant 0 : i32
            %dma_wait3A_174 = arith.constant 0 : i32
            %dma_wait3A_175 = tpu.memref_slice %arg11[%dma_wait3A_173, %dma_wait3A_174] : memref<40x64xi32, #tpu.memory_space<vmem>> -> memref<1x64xi32, #tpu.memory_space<vmem>>
            %dma_wait3A_176 = tpu.memref_squeeze %dma_wait3A_175 : memref<1x64xi32, #tpu.memory_space<vmem>> -> memref<64xi32, #tpu.memory_space<vmem>>
            %dma_wait3A_177 = arith.constant 0 : i32
            %dma_wait3A_178 = arith.constant 0 : i32
            %dma_wait3A_179 = tpu.memref_slice %arg9[%dma_wait3A_177, %dma_wait3A_178] : memref<10112x128xf32, #tpu.memory_space<vmem_shared>> -> memref<10112x128xf32, #tpu.memory_space<vmem_shared>>
            tpu.wait_indirect_dma semaphore(%arg22 : memref<!tpu.dma_semaphore, #tpu.memory_space<semaphore_mem>>) src(%arg14 : memref<64x128xf32, #tpu.memory_space<vmem>>) dst(%dma_wait3A_179 : memref<10112x128xf32, #tpu.memory_space<vmem_shared>>)
          } else {
          }
          %add3A_166 = arith.constant 3 : i32
          %add3A_167 = arith.addi %add3A_147, %add3A_166 : i32
          %lt3A_168 = arith.constant 40 : i32
          %lt3A_169 = arith.cmpi slt, %add3A_167, %lt3A_168 : i32
          %convert_element_type3A_170 = arith.extui %lt3A_169 : i1 to i32
          %cond3A_171 = arith.constant 0 : i32
          %cond3A_172 = arith.cmpi ne, %convert_element_type3A_170, %cond3A_171 : i32
          scf.if %cond3A_172 {
            %add3A_173 = arith.constant 3 : i32
            %add3A_174 = arith.addi %add3A_147, %add3A_173 : i32
            %dma_start3A_175 = arith.constant 0 : i32
            %dma_start3A_176 = tpu.memref_slice %arg10[%add3A_174, %dma_start3A_175] : memref<40x64xi32, #tpu.memory_space<vmem>> -> memref<1x64xi32, #tpu.memory_space<vmem>>
            %dma_start3A_177 = tpu.memref_squeeze %dma_start3A_176 : memref<1x64xi32, #tpu.memory_space<vmem>> -> memref<64xi32, #tpu.memory_space<vmem>>
            %dma_start3A_178 = arith.constant 0 : i32
            %dma_start3A_179 = arith.constant 0 : i32
            %dma_start3A_180 = tpu.memref_slice %arg3[%dma_start3A_178, %dma_start3A_179] : memref<10000x128xf32, #tpu.memory_space<hbm>> -> memref<10000x128xf32, #tpu.memory_space<hbm>>
            tpu.enqueue_indirect_dma source(%dma_start3A_180 : memref<10000x128xf32, #tpu.memory_space<hbm>>) target(%arg14 : memref<64x128xf32, #tpu.memory_space<vmem>>) offsets(%dma_start3A_177 : memref<64xi32, #tpu.memory_space<vmem>>) semaphore(%arg18 : memref<!tpu.dma_semaphore, #tpu.memory_space<semaphore_mem>>)
          } else {
          }
        }
        %scan3A_51 = arith.constant 10 : i32
        %dma_wait3A = arith.constant 0 : i32
        %dma_wait3A_52 = arith.constant 0 : i32
        %dma_wait3A_53 = tpu.memref_slice %arg11[%dma_wait3A, %dma_wait3A_52] : memref<40x64xi32, #tpu.memory_space<vmem>> -> memref<1x64xi32, #tpu.memory_space<vmem>>
        %dma_wait3A_54 = tpu.memref_squeeze %dma_wait3A_53 : memref<1x64xi32, #tpu.memory_space<vmem>> -> memref<64xi32, #tpu.memory_space<vmem>>
        %dma_wait3A_55 = arith.constant 0 : i32
        %dma_wait3A_56 = arith.constant 0 : i32
        %dma_wait3A_57 = tpu.memref_slice %arg9[%dma_wait3A_55, %dma_wait3A_56] : memref<10112x128xf32, #tpu.memory_space<vmem_shared>> -> memref<10112x128xf32, #tpu.memory_space<vmem_shared>>
        tpu.wait_indirect_dma semaphore(%arg23 : memref<!tpu.dma_semaphore, #tpu.memory_space<semaphore_mem>>) src(%arg15 : memref<64x128xf32, #tpu.memory_space<vmem>>) dst(%dma_wait3A_57 : memref<10112x128xf32, #tpu.memory_space<vmem_shared>>)
      }
      %scan3A_14 = arith.constant 8 : i32
      %barrier3A_15 = arith.constant 0 : index
      tpu.barrier barrier_id(%barrier3A_15)
      %mul3A_16 = arith.constant 632 : i32
      %mul3A_17 = arith.muli %arg1, %mul3A_16 : i32
      %mul3A_18 = arith.constant 632 : i32
      %mul3A_19 = arith.muli %arg1, %mul3A_18 : i32
      "tpu.region"() ({
        %run_scoped3A = tpu.sem_alloc : memref<!tpu.dma_semaphore, #tpu.memory_space<semaphore_mem>>
        %dma_start3A = arith.constant 0 : i32
        %dma_start3A_20 = tpu.memref_slice %arg8[%mul3A_19, %dma_start3A] : memref<10112x128xf32, #tpu.memory_space<hbm>> -> memref<632x128xf32, #tpu.memory_space<hbm>>
        %dma_start3A_21 = arith.constant 0 : i32
        %dma_start3A_22 = tpu.memref_slice %arg9[%mul3A_17, %dma_start3A_21] : memref<10112x128xf32, #tpu.memory_space<vmem_shared>> -> memref<632x128xf32, #tpu.memory_space<vmem_shared>>
        tpu.enqueue_dma source(%dma_start3A_22 : memref<632x128xf32, #tpu.memory_space<vmem_shared>>) target(%dma_start3A_20 : memref<632x128xf32, #tpu.memory_space<hbm>>) target_semaphore(%run_scoped3A : memref<!tpu.dma_semaphore, #tpu.memory_space<semaphore_mem>>)
        %dma_wait3A = arith.constant 0 : i32
        %dma_wait3A_23 = tpu.memref_slice %arg8[%mul3A_19, %dma_wait3A] : memref<10112x128xf32, #tpu.memory_space<hbm>> -> memref<632x128xf32, #tpu.memory_space<hbm>>
        %dma_wait3A_24 = arith.constant 0 : i32
        %dma_wait3A_25 = tpu.memref_slice %arg9[%mul3A_17, %dma_wait3A_24] : memref<10112x128xf32, #tpu.memory_space<vmem_shared>> -> memref<632x128xf32, #tpu.memory_space<vmem_shared>>
        tpu.wait_dma2 semaphore(%run_scoped3A : memref<!tpu.dma_semaphore, #tpu.memory_space<semaphore_mem>>) src(%dma_wait3A_25 : memref<632x128xf32, #tpu.memory_space<vmem_shared>>) dst(%dma_wait3A_23 : memref<632x128xf32, #tpu.memory_space<hbm>>)
        tpu.yield
      }) : () -> ()
    } else {
    }
    return
  }
}

#map = affine_map<(d0, d1) -> (0, 0)>
module attributes {stable_mosaic.version = 14 : i64} {
  func.func @_deg_body(%arg0: i32, %arg1: i32, %arg2: memref<2560x128xi32, #tpu.memory_space<hbm>>, %arg3: memref<632x128xf32, #tpu.memory_space<hbm>>, %arg4: memref<128x128xf32, #tpu.memory_space<hbm>>, %arg5: memref<10112x128xf32, #tpu.memory_space<hbm>>, %arg6: memref<10112x128xf32, #tpu.memory_space<hbm>>, %arg7: memref<10112x128xf32, #tpu.memory_space<vmem_shared>>, %arg8: memref<80x128xi32, #tpu.memory_space<vmem>>, %arg9: memref<128x128xf32, #tpu.memory_space<vmem>>, %arg10: memref<!tpu.dma_semaphore, #tpu.memory_space<semaphore_mem>>) attributes {dimension_semantics = [#tpu.dimension_semantics<core_parallel>, #tpu.dimension_semantics<subcore_parallel>], iteration_bounds = array<i64: 2, 16>, scalar_prefetch = 0 : i64, scratch_operands = 4 : i64, tpu.core_type = #tpu.core_type<sc_vector_subcore>, window_params = [{transform_indices = #map}, {transform_indices = #map}, {transform_indices = #map}, {transform_indices = #map}, {transform_indices = #map}]} {
    %mul3A = arith.constant 632 : i32
    %mul3A_0 = arith.muli %arg1, %mul3A : i32
    "tpu.region"() ({
      %run_scoped3A = tpu.sem_alloc : memref<!tpu.dma_semaphore, #tpu.memory_space<semaphore_mem>>
      %dma_start3A = arith.constant 0 : i32
      %dma_start3A_18 = tpu.memref_slice %arg7[%mul3A_0, %dma_start3A] : memref<10112x128xf32, #tpu.memory_space<vmem_shared>> -> memref<632x128xf32, #tpu.memory_space<vmem_shared>>
      tpu.enqueue_dma source(%arg3 : memref<632x128xf32, #tpu.memory_space<hbm>>) target(%dma_start3A_18 : memref<632x128xf32, #tpu.memory_space<vmem_shared>>) target_semaphore(%run_scoped3A : memref<!tpu.dma_semaphore, #tpu.memory_space<semaphore_mem>>)
      %dma_wait3A = arith.constant 0 : i32
      %dma_wait3A_19 = tpu.memref_slice %arg7[%mul3A_0, %dma_wait3A] : memref<10112x128xf32, #tpu.memory_space<vmem_shared>> -> memref<632x128xf32, #tpu.memory_space<vmem_shared>>
      tpu.wait_dma2 semaphore(%run_scoped3A : memref<!tpu.dma_semaphore, #tpu.memory_space<semaphore_mem>>) src(%arg3 : memref<632x128xf32, #tpu.memory_space<hbm>>) dst(%dma_wait3A_19 : memref<632x128xf32, #tpu.memory_space<vmem_shared>>)
      tpu.yield
    }) : () -> ()
    "tpu.region"() ({
      %run_scoped3A = tpu.sem_alloc : memref<!tpu.dma_semaphore, #tpu.memory_space<semaphore_mem>>
      tpu.enqueue_dma source(%arg4 : memref<128x128xf32, #tpu.memory_space<hbm>>) target(%arg9 : memref<128x128xf32, #tpu.memory_space<vmem>>) target_semaphore(%run_scoped3A : memref<!tpu.dma_semaphore, #tpu.memory_space<semaphore_mem>>)
      tpu.wait_dma2 semaphore(%run_scoped3A : memref<!tpu.dma_semaphore, #tpu.memory_space<semaphore_mem>>) src(%arg4 : memref<128x128xf32, #tpu.memory_space<hbm>>) dst(%arg9 : memref<128x128xf32, #tpu.memory_space<vmem>>)
      tpu.yield
    }) : () -> ()
    %mul3A_1 = arith.constant 16 : i32
    %mul3A_2 = arith.muli %arg0, %mul3A_1 : i32
    %add3A = arith.addi %mul3A_2, %arg1 : i32
    %mul3A_3 = arith.constant 80 : i32
    %mul3A_4 = arith.muli %add3A, %mul3A_3 : i32
    "tpu.region"() ({
      %run_scoped3A = tpu.sem_alloc : memref<!tpu.dma_semaphore, #tpu.memory_space<semaphore_mem>>
      %dma_start3A = arith.constant 0 : i32
      %dma_start3A_18 = tpu.memref_slice %arg2[%mul3A_4, %dma_start3A] : memref<2560x128xi32, #tpu.memory_space<hbm>> -> memref<80x128xi32, #tpu.memory_space<hbm>>
      %dma_start3A_19 = arith.constant 0 : i32
      %dma_start3A_20 = tpu.memref_slice %arg2[%mul3A_4, %dma_start3A_19] : memref<2560x128xi32, #tpu.memory_space<hbm>> -> memref<80x128xi32, #tpu.memory_space<hbm>>
      tpu.enqueue_dma source(%dma_start3A_20 : memref<80x128xi32, #tpu.memory_space<hbm>>) target(%arg8 : memref<80x128xi32, #tpu.memory_space<vmem>>) target_semaphore(%run_scoped3A : memref<!tpu.dma_semaphore, #tpu.memory_space<semaphore_mem>>)
      %dma_wait3A = arith.constant 0 : i32
      %dma_wait3A_21 = tpu.memref_slice %arg2[%mul3A_4, %dma_wait3A] : memref<2560x128xi32, #tpu.memory_space<hbm>> -> memref<80x128xi32, #tpu.memory_space<hbm>>
      %dma_wait3A_22 = arith.constant 0 : i32
      %dma_wait3A_23 = tpu.memref_slice %arg2[%mul3A_4, %dma_wait3A_22] : memref<2560x128xi32, #tpu.memory_space<hbm>> -> memref<80x128xi32, #tpu.memory_space<hbm>>
      tpu.wait_dma2 semaphore(%run_scoped3A : memref<!tpu.dma_semaphore, #tpu.memory_space<semaphore_mem>>) src(%dma_wait3A_23 : memref<80x128xi32, #tpu.memory_space<hbm>>) dst(%arg8 : memref<80x128xi32, #tpu.memory_space<vmem>>)
      tpu.yield
    }) : () -> ()
    %barrier3A = arith.constant 0 : index
    tpu.barrier barrier_id(%barrier3A)
    %scan3A = arith.constant 0 : i32
    %scan3A_5 = arith.constant 0 : i32
    %scan3A_6 = arith.constant 10 : i32
    %scan3A_7 = arith.addi %scan3A_5, %scan3A_6 : i32
    %scan3A_8 = arith.constant 1 : i32
    scf.for %scan3A_18 = %scan3A_5 to %scan3A_7 step %scan3A_8  : i32 {
      %mul3A_19 = arith.constant 8 : i32
      %mul3A_20 = arith.muli %scan3A_18, %mul3A_19 : i32
      %add3A_21 = arith.constant 0 : i32
      %add3A_22 = arith.addi %mul3A_20, %add3A_21 : i32
      %dma_start3A = arith.constant 0 : i32
      %dma_start3A_23 = tpu.memref_slice %arg8[%add3A_22, %dma_start3A] : memref<80x128xi32, #tpu.memory_space<vmem>> -> memref<1x128xi32, #tpu.memory_space<vmem>>
      %dma_start3A_24 = tpu.memref_squeeze %dma_start3A_23 : memref<1x128xi32, #tpu.memory_space<vmem>> -> memref<128xi32, #tpu.memory_space<vmem>>
      %dma_start3A_25 = arith.constant 0 : i32
      %dma_start3A_26 = arith.constant 0 : i32
      %dma_start3A_27 = tpu.memref_slice %arg7[%dma_start3A_25, %dma_start3A_26] : memref<10112x128xf32, #tpu.memory_space<vmem_shared>> -> memref<10112x128xf32, #tpu.memory_space<vmem_shared>>
      tpu.enqueue_indirect_dma source(%arg9 : memref<128x128xf32, #tpu.memory_space<vmem>>) target(%dma_start3A_27 : memref<10112x128xf32, #tpu.memory_space<vmem_shared>>) offsets(%dma_start3A_24 : memref<128xi32, #tpu.memory_space<vmem>>) semaphore(%arg10 : memref<!tpu.dma_semaphore, #tpu.memory_space<semaphore_mem>>) {add = true}
      %mul3A_28 = arith.constant 8 : i32
      %mul3A_29 = arith.muli %scan3A_18, %mul3A_28 : i32
      %add3A_30 = arith.constant 1 : i32
      %add3A_31 = arith.addi %mul3A_29, %add3A_30 : i32
      %dma_start3A_32 = arith.constant 0 : i32
      %dma_start3A_33 = tpu.memref_slice %arg8[%add3A_31, %dma_start3A_32] : memref<80x128xi32, #tpu.memory_space<vmem>> -> memref<1x128xi32, #tpu.memory_space<vmem>>
      %dma_start3A_34 = tpu.memref_squeeze %dma_start3A_33 : memref<1x128xi32, #tpu.memory_space<vmem>> -> memref<128xi32, #tpu.memory_space<vmem>>
      %dma_start3A_35 = arith.constant 0 : i32
      %dma_start3A_36 = arith.constant 0 : i32
      %dma_start3A_37 = tpu.memref_slice %arg7[%dma_start3A_35, %dma_start3A_36] : memref<10112x128xf32, #tpu.memory_space<vmem_shared>> -> memref<10112x128xf32, #tpu.memory_space<vmem_shared>>
      tpu.enqueue_indirect_dma source(%arg9 : memref<128x128xf32, #tpu.memory_space<vmem>>) target(%dma_start3A_37 : memref<10112x128xf32, #tpu.memory_space<vmem_shared>>) offsets(%dma_start3A_34 : memref<128xi32, #tpu.memory_space<vmem>>) semaphore(%arg10 : memref<!tpu.dma_semaphore, #tpu.memory_space<semaphore_mem>>) {add = true}
      %mul3A_38 = arith.constant 8 : i32
      %mul3A_39 = arith.muli %scan3A_18, %mul3A_38 : i32
      %add3A_40 = arith.constant 2 : i32
      %add3A_41 = arith.addi %mul3A_39, %add3A_40 : i32
      %dma_start3A_42 = arith.constant 0 : i32
      %dma_start3A_43 = tpu.memref_slice %arg8[%add3A_41, %dma_start3A_42] : memref<80x128xi32, #tpu.memory_space<vmem>> -> memref<1x128xi32, #tpu.memory_space<vmem>>
      %dma_start3A_44 = tpu.memref_squeeze %dma_start3A_43 : memref<1x128xi32, #tpu.memory_space<vmem>> -> memref<128xi32, #tpu.memory_space<vmem>>
      %dma_start3A_45 = arith.constant 0 : i32
      %dma_start3A_46 = arith.constant 0 : i32
      %dma_start3A_47 = tpu.memref_slice %arg7[%dma_start3A_45, %dma_start3A_46] : memref<10112x128xf32, #tpu.memory_space<vmem_shared>> -> memref<10112x128xf32, #tpu.memory_space<vmem_shared>>
      tpu.enqueue_indirect_dma source(%arg9 : memref<128x128xf32, #tpu.memory_space<vmem>>) target(%dma_start3A_47 : memref<10112x128xf32, #tpu.memory_space<vmem_shared>>) offsets(%dma_start3A_44 : memref<128xi32, #tpu.memory_space<vmem>>) semaphore(%arg10 : memref<!tpu.dma_semaphore, #tpu.memory_space<semaphore_mem>>) {add = true}
      %mul3A_48 = arith.constant 8 : i32
      %mul3A_49 = arith.muli %scan3A_18, %mul3A_48 : i32
      %add3A_50 = arith.constant 3 : i32
      %add3A_51 = arith.addi %mul3A_49, %add3A_50 : i32
      %dma_start3A_52 = arith.constant 0 : i32
      %dma_start3A_53 = tpu.memref_slice %arg8[%add3A_51, %dma_start3A_52] : memref<80x128xi32, #tpu.memory_space<vmem>> -> memref<1x128xi32, #tpu.memory_space<vmem>>
      %dma_start3A_54 = tpu.memref_squeeze %dma_start3A_53 : memref<1x128xi32, #tpu.memory_space<vmem>> -> memref<128xi32, #tpu.memory_space<vmem>>
      %dma_start3A_55 = arith.constant 0 : i32
      %dma_start3A_56 = arith.constant 0 : i32
      %dma_start3A_57 = tpu.memref_slice %arg7[%dma_start3A_55, %dma_start3A_56] : memref<10112x128xf32, #tpu.memory_space<vmem_shared>> -> memref<10112x128xf32, #tpu.memory_space<vmem_shared>>
      tpu.enqueue_indirect_dma source(%arg9 : memref<128x128xf32, #tpu.memory_space<vmem>>) target(%dma_start3A_57 : memref<10112x128xf32, #tpu.memory_space<vmem_shared>>) offsets(%dma_start3A_54 : memref<128xi32, #tpu.memory_space<vmem>>) semaphore(%arg10 : memref<!tpu.dma_semaphore, #tpu.memory_space<semaphore_mem>>) {add = true}
      %mul3A_58 = arith.constant 8 : i32
      %mul3A_59 = arith.muli %scan3A_18, %mul3A_58 : i32
      %add3A_60 = arith.constant 4 : i32
      %add3A_61 = arith.addi %mul3A_59, %add3A_60 : i32
      %dma_start3A_62 = arith.constant 0 : i32
      %dma_start3A_63 = tpu.memref_slice %arg8[%add3A_61, %dma_start3A_62] : memref<80x128xi32, #tpu.memory_space<vmem>> -> memref<1x128xi32, #tpu.memory_space<vmem>>
      %dma_start3A_64 = tpu.memref_squeeze %dma_start3A_63 : memref<1x128xi32, #tpu.memory_space<vmem>> -> memref<128xi32, #tpu.memory_space<vmem>>
      %dma_start3A_65 = arith.constant 0 : i32
      %dma_start3A_66 = arith.constant 0 : i32
      %dma_start3A_67 = tpu.memref_slice %arg7[%dma_start3A_65, %dma_start3A_66] : memref<10112x128xf32, #tpu.memory_space<vmem_shared>> -> memref<10112x128xf32, #tpu.memory_space<vmem_shared>>
      tpu.enqueue_indirect_dma source(%arg9 : memref<128x128xf32, #tpu.memory_space<vmem>>) target(%dma_start3A_67 : memref<10112x128xf32, #tpu.memory_space<vmem_shared>>) offsets(%dma_start3A_64 : memref<128xi32, #tpu.memory_space<vmem>>) semaphore(%arg10 : memref<!tpu.dma_semaphore, #tpu.memory_space<semaphore_mem>>) {add = true}
      %mul3A_68 = arith.constant 8 : i32
      %mul3A_69 = arith.muli %scan3A_18, %mul3A_68 : i32
      %add3A_70 = arith.constant 5 : i32
      %add3A_71 = arith.addi %mul3A_69, %add3A_70 : i32
      %dma_start3A_72 = arith.constant 0 : i32
      %dma_start3A_73 = tpu.memref_slice %arg8[%add3A_71, %dma_start3A_72] : memref<80x128xi32, #tpu.memory_space<vmem>> -> memref<1x128xi32, #tpu.memory_space<vmem>>
      %dma_start3A_74 = tpu.memref_squeeze %dma_start3A_73 : memref<1x128xi32, #tpu.memory_space<vmem>> -> memref<128xi32, #tpu.memory_space<vmem>>
      %dma_start3A_75 = arith.constant 0 : i32
      %dma_start3A_76 = arith.constant 0 : i32
      %dma_start3A_77 = tpu.memref_slice %arg7[%dma_start3A_75, %dma_start3A_76] : memref<10112x128xf32, #tpu.memory_space<vmem_shared>> -> memref<10112x128xf32, #tpu.memory_space<vmem_shared>>
      tpu.enqueue_indirect_dma source(%arg9 : memref<128x128xf32, #tpu.memory_space<vmem>>) target(%dma_start3A_77 : memref<10112x128xf32, #tpu.memory_space<vmem_shared>>) offsets(%dma_start3A_74 : memref<128xi32, #tpu.memory_space<vmem>>) semaphore(%arg10 : memref<!tpu.dma_semaphore, #tpu.memory_space<semaphore_mem>>) {add = true}
      %mul3A_78 = arith.constant 8 : i32
      %mul3A_79 = arith.muli %scan3A_18, %mul3A_78 : i32
      %add3A_80 = arith.constant 6 : i32
      %add3A_81 = arith.addi %mul3A_79, %add3A_80 : i32
      %dma_start3A_82 = arith.constant 0 : i32
      %dma_start3A_83 = tpu.memref_slice %arg8[%add3A_81, %dma_start3A_82] : memref<80x128xi32, #tpu.memory_space<vmem>> -> memref<1x128xi32, #tpu.memory_space<vmem>>
      %dma_start3A_84 = tpu.memref_squeeze %dma_start3A_83 : memref<1x128xi32, #tpu.memory_space<vmem>> -> memref<128xi32, #tpu.memory_space<vmem>>
      %dma_start3A_85 = arith.constant 0 : i32
      %dma_start3A_86 = arith.constant 0 : i32
      %dma_start3A_87 = tpu.memref_slice %arg7[%dma_start3A_85, %dma_start3A_86] : memref<10112x128xf32, #tpu.memory_space<vmem_shared>> -> memref<10112x128xf32, #tpu.memory_space<vmem_shared>>
      tpu.enqueue_indirect_dma source(%arg9 : memref<128x128xf32, #tpu.memory_space<vmem>>) target(%dma_start3A_87 : memref<10112x128xf32, #tpu.memory_space<vmem_shared>>) offsets(%dma_start3A_84 : memref<128xi32, #tpu.memory_space<vmem>>) semaphore(%arg10 : memref<!tpu.dma_semaphore, #tpu.memory_space<semaphore_mem>>) {add = true}
      %mul3A_88 = arith.constant 8 : i32
      %mul3A_89 = arith.muli %scan3A_18, %mul3A_88 : i32
      %add3A_90 = arith.constant 7 : i32
      %add3A_91 = arith.addi %mul3A_89, %add3A_90 : i32
      %dma_start3A_92 = arith.constant 0 : i32
      %dma_start3A_93 = tpu.memref_slice %arg8[%add3A_91, %dma_start3A_92] : memref<80x128xi32, #tpu.memory_space<vmem>> -> memref<1x128xi32, #tpu.memory_space<vmem>>
      %dma_start3A_94 = tpu.memref_squeeze %dma_start3A_93 : memref<1x128xi32, #tpu.memory_space<vmem>> -> memref<128xi32, #tpu.memory_space<vmem>>
      %dma_start3A_95 = arith.constant 0 : i32
      %dma_start3A_96 = arith.constant 0 : i32
      %dma_start3A_97 = tpu.memref_slice %arg7[%dma_start3A_95, %dma_start3A_96] : memref<10112x128xf32, #tpu.memory_space<vmem_shared>> -> memref<10112x128xf32, #tpu.memory_space<vmem_shared>>
      tpu.enqueue_indirect_dma source(%arg9 : memref<128x128xf32, #tpu.memory_space<vmem>>) target(%dma_start3A_97 : memref<10112x128xf32, #tpu.memory_space<vmem_shared>>) offsets(%dma_start3A_94 : memref<128xi32, #tpu.memory_space<vmem>>) semaphore(%arg10 : memref<!tpu.dma_semaphore, #tpu.memory_space<semaphore_mem>>) {add = true}
      %dma_wait3A = arith.constant 0 : i32
      %dma_wait3A_98 = arith.constant 0 : i32
      %dma_wait3A_99 = tpu.memref_slice %arg8[%dma_wait3A, %dma_wait3A_98] : memref<80x128xi32, #tpu.memory_space<vmem>> -> memref<1x128xi32, #tpu.memory_space<vmem>>
      %dma_wait3A_100 = tpu.memref_squeeze %dma_wait3A_99 : memref<1x128xi32, #tpu.memory_space<vmem>> -> memref<128xi32, #tpu.memory_space<vmem>>
      %dma_wait3A_101 = arith.constant 0 : i32
      %dma_wait3A_102 = arith.constant 0 : i32
      %dma_wait3A_103 = tpu.memref_slice %arg7[%dma_wait3A_101, %dma_wait3A_102] : memref<10112x128xf32, #tpu.memory_space<vmem_shared>> -> memref<10112x128xf32, #tpu.memory_space<vmem_shared>>
      tpu.wait_indirect_dma semaphore(%arg10 : memref<!tpu.dma_semaphore, #tpu.memory_space<semaphore_mem>>) src(%arg9 : memref<128x128xf32, #tpu.memory_space<vmem>>) dst(%dma_wait3A_103 : memref<10112x128xf32, #tpu.memory_space<vmem_shared>>)
      %dma_wait3A_104 = arith.constant 0 : i32
      %dma_wait3A_105 = arith.constant 0 : i32
      %dma_wait3A_106 = tpu.memref_slice %arg8[%dma_wait3A_104, %dma_wait3A_105] : memref<80x128xi32, #tpu.memory_space<vmem>> -> memref<1x128xi32, #tpu.memory_space<vmem>>
      %dma_wait3A_107 = tpu.memref_squeeze %dma_wait3A_106 : memref<1x128xi32, #tpu.memory_space<vmem>> -> memref<128xi32, #tpu.memory_space<vmem>>
      %dma_wait3A_108 = arith.constant 0 : i32
      %dma_wait3A_109 = arith.constant 0 : i32
      %dma_wait3A_110 = tpu.memref_slice %arg7[%dma_wait3A_108, %dma_wait3A_109] : memref<10112x128xf32, #tpu.memory_space<vmem_shared>> -> memref<10112x128xf32, #tpu.memory_space<vmem_shared>>
      tpu.wait_indirect_dma semaphore(%arg10 : memref<!tpu.dma_semaphore, #tpu.memory_space<semaphore_mem>>) src(%arg9 : memref<128x128xf32, #tpu.memory_space<vmem>>) dst(%dma_wait3A_110 : memref<10112x128xf32, #tpu.memory_space<vmem_shared>>)
      %dma_wait3A_111 = arith.constant 0 : i32
      %dma_wait3A_112 = arith.constant 0 : i32
      %dma_wait3A_113 = tpu.memref_slice %arg8[%dma_wait3A_111, %dma_wait3A_112] : memref<80x128xi32, #tpu.memory_space<vmem>> -> memref<1x128xi32, #tpu.memory_space<vmem>>
      %dma_wait3A_114 = tpu.memref_squeeze %dma_wait3A_113 : memref<1x128xi32, #tpu.memory_space<vmem>> -> memref<128xi32, #tpu.memory_space<vmem>>
      %dma_wait3A_115 = arith.constant 0 : i32
      %dma_wait3A_116 = arith.constant 0 : i32
      %dma_wait3A_117 = tpu.memref_slice %arg7[%dma_wait3A_115, %dma_wait3A_116] : memref<10112x128xf32, #tpu.memory_space<vmem_shared>> -> memref<10112x128xf32, #tpu.memory_space<vmem_shared>>
      tpu.wait_indirect_dma semaphore(%arg10 : memref<!tpu.dma_semaphore, #tpu.memory_space<semaphore_mem>>) src(%arg9 : memref<128x128xf32, #tpu.memory_space<vmem>>) dst(%dma_wait3A_117 : memref<10112x128xf32, #tpu.memory_space<vmem_shared>>)
      %dma_wait3A_118 = arith.constant 0 : i32
      %dma_wait3A_119 = arith.constant 0 : i32
      %dma_wait3A_120 = tpu.memref_slice %arg8[%dma_wait3A_118, %dma_wait3A_119] : memref<80x128xi32, #tpu.memory_space<vmem>> -> memref<1x128xi32, #tpu.memory_space<vmem>>
      %dma_wait3A_121 = tpu.memref_squeeze %dma_wait3A_120 : memref<1x128xi32, #tpu.memory_space<vmem>> -> memref<128xi32, #tpu.memory_space<vmem>>
      %dma_wait3A_122 = arith.constant 0 : i32
      %dma_wait3A_123 = arith.constant 0 : i32
      %dma_wait3A_124 = tpu.memref_slice %arg7[%dma_wait3A_122, %dma_wait3A_123] : memref<10112x128xf32, #tpu.memory_space<vmem_shared>> -> memref<10112x128xf32, #tpu.memory_space<vmem_shared>>
      tpu.wait_indirect_dma semaphore(%arg10 : memref<!tpu.dma_semaphore, #tpu.memory_space<semaphore_mem>>) src(%arg9 : memref<128x128xf32, #tpu.memory_space<vmem>>) dst(%dma_wait3A_124 : memref<10112x128xf32, #tpu.memory_space<vmem_shared>>)
      %dma_wait3A_125 = arith.constant 0 : i32
      %dma_wait3A_126 = arith.constant 0 : i32
      %dma_wait3A_127 = tpu.memref_slice %arg8[%dma_wait3A_125, %dma_wait3A_126] : memref<80x128xi32, #tpu.memory_space<vmem>> -> memref<1x128xi32, #tpu.memory_space<vmem>>
      %dma_wait3A_128 = tpu.memref_squeeze %dma_wait3A_127 : memref<1x128xi32, #tpu.memory_space<vmem>> -> memref<128xi32, #tpu.memory_space<vmem>>
      %dma_wait3A_129 = arith.constant 0 : i32
      %dma_wait3A_130 = arith.constant 0 : i32
      %dma_wait3A_131 = tpu.memref_slice %arg7[%dma_wait3A_129, %dma_wait3A_130] : memref<10112x128xf32, #tpu.memory_space<vmem_shared>> -> memref<10112x128xf32, #tpu.memory_space<vmem_shared>>
      tpu.wait_indirect_dma semaphore(%arg10 : memref<!tpu.dma_semaphore, #tpu.memory_space<semaphore_mem>>) src(%arg9 : memref<128x128xf32, #tpu.memory_space<vmem>>) dst(%dma_wait3A_131 : memref<10112x128xf32, #tpu.memory_space<vmem_shared>>)
      %dma_wait3A_132 = arith.constant 0 : i32
      %dma_wait3A_133 = arith.constant 0 : i32
      %dma_wait3A_134 = tpu.memref_slice %arg8[%dma_wait3A_132, %dma_wait3A_133] : memref<80x128xi32, #tpu.memory_space<vmem>> -> memref<1x128xi32, #tpu.memory_space<vmem>>
      %dma_wait3A_135 = tpu.memref_squeeze %dma_wait3A_134 : memref<1x128xi32, #tpu.memory_space<vmem>> -> memref<128xi32, #tpu.memory_space<vmem>>
      %dma_wait3A_136 = arith.constant 0 : i32
      %dma_wait3A_137 = arith.constant 0 : i32
      %dma_wait3A_138 = tpu.memref_slice %arg7[%dma_wait3A_136, %dma_wait3A_137] : memref<10112x128xf32, #tpu.memory_space<vmem_shared>> -> memref<10112x128xf32, #tpu.memory_space<vmem_shared>>
      tpu.wait_indirect_dma semaphore(%arg10 : memref<!tpu.dma_semaphore, #tpu.memory_space<semaphore_mem>>) src(%arg9 : memref<128x128xf32, #tpu.memory_space<vmem>>) dst(%dma_wait3A_138 : memref<10112x128xf32, #tpu.memory_space<vmem_shared>>)
      %dma_wait3A_139 = arith.constant 0 : i32
      %dma_wait3A_140 = arith.constant 0 : i32
      %dma_wait3A_141 = tpu.memref_slice %arg8[%dma_wait3A_139, %dma_wait3A_140] : memref<80x128xi32, #tpu.memory_space<vmem>> -> memref<1x128xi32, #tpu.memory_space<vmem>>
      %dma_wait3A_142 = tpu.memref_squeeze %dma_wait3A_141 : memref<1x128xi32, #tpu.memory_space<vmem>> -> memref<128xi32, #tpu.memory_space<vmem>>
      %dma_wait3A_143 = arith.constant 0 : i32
      %dma_wait3A_144 = arith.constant 0 : i32
      %dma_wait3A_145 = tpu.memref_slice %arg7[%dma_wait3A_143, %dma_wait3A_144] : memref<10112x128xf32, #tpu.memory_space<vmem_shared>> -> memref<10112x128xf32, #tpu.memory_space<vmem_shared>>
      tpu.wait_indirect_dma semaphore(%arg10 : memref<!tpu.dma_semaphore, #tpu.memory_space<semaphore_mem>>) src(%arg9 : memref<128x128xf32, #tpu.memory_space<vmem>>) dst(%dma_wait3A_145 : memref<10112x128xf32, #tpu.memory_space<vmem_shared>>)
      %dma_wait3A_146 = arith.constant 0 : i32
      %dma_wait3A_147 = arith.constant 0 : i32
      %dma_wait3A_148 = tpu.memref_slice %arg8[%dma_wait3A_146, %dma_wait3A_147] : memref<80x128xi32, #tpu.memory_space<vmem>> -> memref<1x128xi32, #tpu.memory_space<vmem>>
      %dma_wait3A_149 = tpu.memref_squeeze %dma_wait3A_148 : memref<1x128xi32, #tpu.memory_space<vmem>> -> memref<128xi32, #tpu.memory_space<vmem>>
      %dma_wait3A_150 = arith.constant 0 : i32
      %dma_wait3A_151 = arith.constant 0 : i32
      %dma_wait3A_152 = tpu.memref_slice %arg7[%dma_wait3A_150, %dma_wait3A_151] : memref<10112x128xf32, #tpu.memory_space<vmem_shared>> -> memref<10112x128xf32, #tpu.memory_space<vmem_shared>>
      tpu.wait_indirect_dma semaphore(%arg10 : memref<!tpu.dma_semaphore, #tpu.memory_space<semaphore_mem>>) src(%arg9 : memref<128x128xf32, #tpu.memory_space<vmem>>) dst(%dma_wait3A_152 : memref<10112x128xf32, #tpu.memory_space<vmem_shared>>)
    }
    %scan3A_9 = arith.constant 10 : i32
    %barrier3A_10 = arith.constant 0 : index
    tpu.barrier barrier_id(%barrier3A_10)
    %eq3A = arith.constant 0 : i32
    %eq3A_11 = arith.cmpi eq, %arg0, %eq3A : i32
    %convert_element_type3A = arith.extui %eq3A_11 : i1 to i32
    %cond3A = arith.constant 0 : i32
    %cond3A_12 = arith.cmpi ne, %convert_element_type3A, %cond3A : i32
    scf.if %cond3A_12 {
      %mul3A_18 = arith.constant 632 : i32
      %mul3A_19 = arith.muli %arg1, %mul3A_18 : i32
      %mul3A_20 = arith.constant 632 : i32
      %mul3A_21 = arith.muli %arg1, %mul3A_20 : i32
      "tpu.region"() ({
        %run_scoped3A = tpu.sem_alloc : memref<!tpu.dma_semaphore, #tpu.memory_space<semaphore_mem>>
        %dma_start3A = arith.constant 0 : i32
        %dma_start3A_22 = tpu.memref_slice %arg5[%mul3A_21, %dma_start3A] : memref<10112x128xf32, #tpu.memory_space<hbm>> -> memref<632x128xf32, #tpu.memory_space<hbm>>
        %dma_start3A_23 = arith.constant 0 : i32
        %dma_start3A_24 = tpu.memref_slice %arg7[%mul3A_19, %dma_start3A_23] : memref<10112x128xf32, #tpu.memory_space<vmem_shared>> -> memref<632x128xf32, #tpu.memory_space<vmem_shared>>
        tpu.enqueue_dma source(%dma_start3A_24 : memref<632x128xf32, #tpu.memory_space<vmem_shared>>) target(%dma_start3A_22 : memref<632x128xf32, #tpu.memory_space<hbm>>) target_semaphore(%run_scoped3A : memref<!tpu.dma_semaphore, #tpu.memory_space<semaphore_mem>>)
        %dma_wait3A = arith.constant 0 : i32
        %dma_wait3A_25 = tpu.memref_slice %arg5[%mul3A_21, %dma_wait3A] : memref<10112x128xf32, #tpu.memory_space<hbm>> -> memref<632x128xf32, #tpu.memory_space<hbm>>
        %dma_wait3A_26 = arith.constant 0 : i32
        %dma_wait3A_27 = tpu.memref_slice %arg7[%mul3A_19, %dma_wait3A_26] : memref<10112x128xf32, #tpu.memory_space<vmem_shared>> -> memref<632x128xf32, #tpu.memory_space<vmem_shared>>
        tpu.wait_dma2 semaphore(%run_scoped3A : memref<!tpu.dma_semaphore, #tpu.memory_space<semaphore_mem>>) src(%dma_wait3A_27 : memref<632x128xf32, #tpu.memory_space<vmem_shared>>) dst(%dma_wait3A_25 : memref<632x128xf32, #tpu.memory_space<hbm>>)
        tpu.yield
      }) : () -> ()
    } else {
    }
    %eq3A_13 = arith.constant 1 : i32
    %eq3A_14 = arith.cmpi eq, %arg0, %eq3A_13 : i32
    %convert_element_type3A_15 = arith.extui %eq3A_14 : i1 to i32
    %cond3A_16 = arith.constant 0 : i32
    %cond3A_17 = arith.cmpi ne, %convert_element_type3A_15, %cond3A_16 : i32
    scf.if %cond3A_17 {
      %mul3A_18 = arith.constant 632 : i32
      %mul3A_19 = arith.muli %arg1, %mul3A_18 : i32
      %mul3A_20 = arith.constant 632 : i32
      %mul3A_21 = arith.muli %arg1, %mul3A_20 : i32
      "tpu.region"() ({
        %run_scoped3A = tpu.sem_alloc : memref<!tpu.dma_semaphore, #tpu.memory_space<semaphore_mem>>
        %dma_start3A = arith.constant 0 : i32
        %dma_start3A_22 = tpu.memref_slice %arg6[%mul3A_21, %dma_start3A] : memref<10112x128xf32, #tpu.memory_space<hbm>> -> memref<632x128xf32, #tpu.memory_space<hbm>>
        %dma_start3A_23 = arith.constant 0 : i32
        %dma_start3A_24 = tpu.memref_slice %arg7[%mul3A_19, %dma_start3A_23] : memref<10112x128xf32, #tpu.memory_space<vmem_shared>> -> memref<632x128xf32, #tpu.memory_space<vmem_shared>>
        tpu.enqueue_dma source(%dma_start3A_24 : memref<632x128xf32, #tpu.memory_space<vmem_shared>>) target(%dma_start3A_22 : memref<632x128xf32, #tpu.memory_space<hbm>>) target_semaphore(%run_scoped3A : memref<!tpu.dma_semaphore, #tpu.memory_space<semaphore_mem>>)
        %dma_wait3A = arith.constant 0 : i32
        %dma_wait3A_25 = tpu.memref_slice %arg6[%mul3A_21, %dma_wait3A] : memref<10112x128xf32, #tpu.memory_space<hbm>> -> memref<632x128xf32, #tpu.memory_space<hbm>>
        %dma_wait3A_26 = arith.constant 0 : i32
        %dma_wait3A_27 = tpu.memref_slice %arg7[%mul3A_19, %dma_wait3A_26] : memref<10112x128xf32, #tpu.memory_space<vmem_shared>> -> memref<632x128xf32, #tpu.memory_space<vmem_shared>>
        tpu.wait_dma2 semaphore(%run_scoped3A : memref<!tpu.dma_semaphore, #tpu.memory_space<semaphore_mem>>) src(%dma_wait3A_27 : memref<632x128xf32, #tpu.memory_space<vmem_shared>>) dst(%dma_wait3A_25 : memref<632x128xf32, #tpu.memory_space<hbm>>)
        tpu.yield
      }) : () -> ()
    } else {
    }
    return
  }
}

module attributes {stable_mosaic.version = 14 : i64} {
  func.func @_scale_body(%arg0: i32, %arg1: memref<400x128xf32, #tpu.memory_space<vmem>>, %arg2: memref<400x128xf32, #tpu.memory_space<vmem>>, %arg3: memref<400x128xf32, #tpu.memory_space<vmem>>, %arg4: memref<400x128xf32, #tpu.memory_space<vmem>>, %arg5: memref<400x128xf32, #tpu.memory_space<vmem>>, %arg6: memref<400x128xf32, #tpu.memory_space<vmem>>) attributes {dimension_semantics = [#tpu.dimension_semantics<arbitrary>], iteration_bounds = array<i64: 25>, scalar_prefetch = 0 : i64, scratch_operands = 0 : i64, tpu.core_type = #tpu.core_type<tc>, window_params = [{transform_indices = @transform_0, window_bounds = array<i64: 400, 128>}, {transform_indices = @transform_1, window_bounds = array<i64: 400, 128>}, {transform_indices = @transform_2, window_bounds = array<i64: 400, 128>}, {transform_indices = @transform_3, window_bounds = array<i64: 400, 128>}, {transform_indices = @transform_4, window_bounds = array<i64: 400, 128>}, {transform_indices = @transform_5, window_bounds = array<i64: 400, 128>}]} {
    %get3A = arith.constant 0 : index
    %get3A_0 = arith.constant 0 : index
    %get3A_1 = vector.load %arg3[%get3A, %get3A_0] : memref<400x128xf32, #tpu.memory_space<vmem>>, vector<400x1xf32>
    %add3A = arith.constant 1.000000e+00 : f32
    %add3A_2 = vector.broadcast %add3A : f32 to vector<400x1xf32>
    %add3A_3 = arith.addf %add3A_2, %get3A_1 : vector<400x1xf32>
    %get3A_4 = arith.constant 0 : index
    %get3A_5 = arith.constant 0 : index
    %get3A_6 = vector.load %arg4[%get3A_4, %get3A_5] : memref<400x128xf32, #tpu.memory_space<vmem>>, vector<400x1xf32>
    %add3A_7 = arith.addf %add3A_3, %get3A_6 : vector<400x1xf32>
    %rsqrt3A = math.rsqrt %add3A_7 : vector<400x1xf32>
    %get3A_8 = arith.constant 0 : index
    %get3A_9 = arith.constant 0 : index
    %get3A_10 = vector.load %arg1[%get3A_8, %get3A_9] : memref<400x128xf32, #tpu.memory_space<vmem>>, vector<400x128xf32>
    %mul3A = vector.broadcast %rsqrt3A : vector<400x1xf32> to vector<400x128xf32>
    %mul3A_11 = arith.mulf %get3A_10, %mul3A : vector<400x128xf32>
    %swap3A = arith.constant 0 : index
    %swap3A_12 = arith.constant 0 : index
    %swap3A_13 = vector.load %arg5[%swap3A, %swap3A_12] : memref<400x128xf32, #tpu.memory_space<vmem>>, vector<400x128xf32>
    tpu.vector_store %arg5[%swap3A, %swap3A_12], %mul3A_11 {strides = array<i32>} : memref<400x128xf32, #tpu.memory_space<vmem>>, vector<400x128xf32>,
    %get3A_14 = arith.constant 0 : index
    %get3A_15 = arith.constant 0 : index
    %get3A_16 = vector.load %arg2[%get3A_14, %get3A_15] : memref<400x128xf32, #tpu.memory_space<vmem>>, vector<400x128xf32>
    %mul3A_17 = vector.broadcast %rsqrt3A : vector<400x1xf32> to vector<400x128xf32>
    %mul3A_18 = arith.mulf %get3A_16, %mul3A_17 : vector<400x128xf32>
    %swap3A_19 = arith.constant 0 : index
    %swap3A_20 = arith.constant 0 : index
    %swap3A_21 = vector.load %arg6[%swap3A_19, %swap3A_20] : memref<400x128xf32, #tpu.memory_space<vmem>>, vector<400x128xf32>
    tpu.vector_store %arg6[%swap3A_19, %swap3A_20], %mul3A_18 {strides = array<i32>} : memref<400x128xf32, #tpu.memory_space<vmem>>, vector<400x128xf32>,
    return
  }
  func.func @transform_0(%arg0: i32) -> (i32, i32) {
    %c0_i32 = arith.constant 0 : i32
    %c0_i32_0 = arith.constant 0 : i32
    return %arg0, %c0_i32 : i32, i32
  }
  func.func @transform_1(%arg0: i32) -> (i32, i32) {
    %c0_i32 = arith.constant 0 : i32
    %c0_i32_0 = arith.constant 0 : i32
    return %arg0, %c0_i32 : i32, i32
  }
  func.func @transform_2(%arg0: i32) -> (i32, i32) {
    %c0_i32 = arith.constant 0 : i32
    %c0_i32_0 = arith.constant 0 : i32
    return %arg0, %c0_i32 : i32, i32
  }
  func.func @transform_3(%arg0: i32) -> (i32, i32) {
    %c0_i32 = arith.constant 0 : i32
    %c0_i32_0 = arith.constant 0 : i32
    return %arg0, %c0_i32 : i32, i32
  }
  func.func @transform_4(%arg0: i32) -> (i32, i32) {
    %c0_i32 = arith.constant 0 : i32
    %c0_i32_0 = arith.constant 0 : i32
    return %arg0, %c0_i32 : i32, i32
  }
  func.func @transform_5(%arg0: i32) -> (i32, i32) {
    %c0_i32 = arith.constant 0 : i32
    %c0_i32_0 = arith.constant 0 : i32
    return %arg0, %c0_i32 : i32, i32
  }
}

module attributes {stable_mosaic.version = 14 : i64} {
  func.func @_gate_body(%arg0: i32, %arg1: memref<400x128xf32, #tpu.memory_space<vmem>>, %arg2: memref<400x128xf32, #tpu.memory_space<vmem>>, %arg3: memref<400x128xf32, #tpu.memory_space<vmem>>, %arg4: memref<400x128xf32, #tpu.memory_space<vmem>>, %arg5: memref<400x128xf32, #tpu.memory_space<vmem>>, %arg6: memref<400x128xf32, #tpu.memory_space<vmem>>, %arg7: memref<400x128xf32, #tpu.memory_space<vmem>>, %arg8: memref<256x512xf32, #tpu.memory_space<vmem>>, %arg9: memref<1x512xf32, #tpu.memory_space<vmem>>, %arg10: memref<400x128xf32, #tpu.memory_space<vmem>>, %arg11: memref<400x128xf32, #tpu.memory_space<vmem>>) attributes {dimension_semantics = [#tpu.dimension_semantics<arbitrary>], iteration_bounds = array<i64: 25>, scalar_prefetch = 0 : i64, scratch_operands = 0 : i64, tpu.core_type = #tpu.core_type<tc>, window_params = [{transform_indices = @transform_0, window_bounds = array<i64: 400, 128>}, {transform_indices = @transform_1, window_bounds = array<i64: 400, 128>}, {transform_indices = @transform_2, window_bounds = array<i64: 400, 128>}, {transform_indices = @transform_3, window_bounds = array<i64: 400, 128>}, {transform_indices = @transform_4, window_bounds = array<i64: 400, 128>}, {transform_indices = @transform_5, window_bounds = array<i64: 400, 128>}, {transform_indices = @transform_6, window_bounds = array<i64: 400, 128>}, {pipeline_mode = #tpu.pipeline_mode<synchronous>, transform_indices = @transform_7, window_bounds = array<i64: 256, 512>}, {pipeline_mode = #tpu.pipeline_mode<synchronous>, transform_indices = @transform_8, window_bounds = array<i64: 1, 512>}, {transform_indices = @transform_9, window_bounds = array<i64: 400, 128>}, {transform_indices = @transform_10, window_bounds = array<i64: 400, 128>}]} {
    %get3A = arith.constant 0 : index
    %get3A_0 = arith.constant 0 : index
    %get3A_1 = vector.load %arg5[%get3A, %get3A_0] : memref<400x128xf32, #tpu.memory_space<vmem>>, vector<400x1xf32>
    %add3A = arith.constant 1.000000e+00 : f32
    %add3A_2 = vector.broadcast %add3A : f32 to vector<400x1xf32>
    %add3A_3 = arith.addf %add3A_2, %get3A_1 : vector<400x1xf32>
    %get3A_4 = arith.constant 0 : index
    %get3A_5 = arith.constant 0 : index
    %get3A_6 = vector.load %arg6[%get3A_4, %get3A_5] : memref<400x128xf32, #tpu.memory_space<vmem>>, vector<400x1xf32>
    %add3A_7 = arith.addf %add3A_3, %get3A_6 : vector<400x1xf32>
    %rsqrt3A = math.rsqrt %add3A_7 : vector<400x1xf32>
    %get3A_8 = arith.constant 0 : index
    %get3A_9 = arith.constant 0 : index
    %get3A_10 = vector.load %arg1[%get3A_8, %get3A_9] : memref<400x128xf32, #tpu.memory_space<vmem>>, vector<400x128xf32>
    %get3A_11 = arith.constant 0 : index
    %get3A_12 = arith.constant 0 : index
    %get3A_13 = vector.load %arg3[%get3A_11, %get3A_12] : memref<400x128xf32, #tpu.memory_space<vmem>>, vector<400x128xf32>
    %add3A_14 = arith.addf %get3A_10, %get3A_13 : vector<400x128xf32>
    %mul3A = vector.broadcast %rsqrt3A : vector<400x1xf32> to vector<400x128xf32>
    %mul3A_15 = arith.mulf %add3A_14, %mul3A : vector<400x128xf32>
    %get3A_16 = arith.constant 0 : index
    %get3A_17 = arith.constant 0 : index
    %get3A_18 = vector.load %arg2[%get3A_16, %get3A_17] : memref<400x128xf32, #tpu.memory_space<vmem>>, vector<400x128xf32>
    %get3A_19 = arith.constant 0 : index
    %get3A_20 = arith.constant 0 : index
    %get3A_21 = vector.load %arg4[%get3A_19, %get3A_20] : memref<400x128xf32, #tpu.memory_space<vmem>>, vector<400x128xf32>
    %add3A_22 = arith.addf %get3A_18, %get3A_21 : vector<400x128xf32>
    %mul3A_23 = vector.broadcast %rsqrt3A : vector<400x1xf32> to vector<400x128xf32>
    %mul3A_24 = arith.mulf %add3A_22, %mul3A_23 : vector<400x128xf32>
    %concatenate3A = tpu.concatenate %mul3A_15, %mul3A_24 in 1 : vector<400x128xf32>, vector<400x128xf32> -> vector<400x256xf32>
    %get3A_25 = arith.constant 0 : index
    %get3A_26 = arith.constant 0 : index
    %get3A_27 = vector.load %arg8[%get3A_25, %get3A_26] : memref<256x512xf32, #tpu.memory_space<vmem>>, vector<256x512xf32>
    %dot_general3A = arith.constant dense<0.000000e+00> : vector<400x512xf32>
    %dot_general3A_28 = tpu.matmul %concatenate3A, %get3A_27, %dot_general3A {dimension_numbers = #tpu.dot_dimension_numbers<[1], [0], [0], [1], [0, 0, 1, 1], [], []>, transpose_lhs_hint = false} : vector<400x256xf32>, vector<256x512xf32>, vector<400x512xf32> -> vector<400x512xf32>
    %get3A_29 = arith.constant 0 : index
    %get3A_30 = arith.constant 0 : index
    %get3A_31 = vector.load %arg9[%get3A_29, %get3A_30] : memref<1x512xf32, #tpu.memory_space<vmem>>, vector<1x512xf32>
    %add3A_32 = vector.broadcast %get3A_31 : vector<1x512xf32> to vector<400x512xf32>
    %add3A_33 = arith.addf %dot_general3A_28, %add3A_32 : vector<400x512xf32>
    %slice3A = vector.extract_strided_slice %add3A_33 {offsets = [0, 0], sizes = [400, 128], strides = [1, 1]} : vector<400x512xf32> to vector<400x128xf32>
    %logistic3A = arith.negf %slice3A : vector<400x128xf32>
    %logistic3A_34 = math.exp %logistic3A : vector<400x128xf32>
    %logistic3A_35 = arith.constant 1.000000e+00 : f32
    %logistic3A_36 = vector.broadcast %logistic3A_35 : f32 to vector<400x128xf32>
    %logistic3A_37 = arith.addf %logistic3A_36, %logistic3A_34 : vector<400x128xf32>
    %logistic3A_38 = arith.divf %logistic3A_36, %logistic3A_37 : vector<400x128xf32>
    %slice3A_39 = vector.extract_strided_slice %add3A_33 {offsets = [0, 128], sizes = [400, 128], strides = [1, 1]} : vector<400x512xf32> to vector<400x128xf32>
    %logistic3A_40 = arith.negf %slice3A_39 : vector<400x128xf32>
    %logistic3A_41 = math.exp %logistic3A_40 : vector<400x128xf32>
    %logistic3A_42 = arith.constant 1.000000e+00 : f32
    %logistic3A_43 = vector.broadcast %logistic3A_42 : f32 to vector<400x128xf32>
    %logistic3A_44 = arith.addf %logistic3A_43, %logistic3A_41 : vector<400x128xf32>
    %logistic3A_45 = arith.divf %logistic3A_43, %logistic3A_44 : vector<400x128xf32>
    %slice3A_46 = vector.extract_strided_slice %add3A_33 {offsets = [0, 256], sizes = [400, 128], strides = [1, 1]} : vector<400x512xf32> to vector<400x128xf32>
    %logistic3A_47 = arith.negf %slice3A_46 : vector<400x128xf32>
    %logistic3A_48 = math.exp %logistic3A_47 : vector<400x128xf32>
    %logistic3A_49 = arith.constant 1.000000e+00 : f32
    %logistic3A_50 = vector.broadcast %logistic3A_49 : f32 to vector<400x128xf32>
    %logistic3A_51 = arith.addf %logistic3A_50, %logistic3A_48 : vector<400x128xf32>
    %logistic3A_52 = arith.divf %logistic3A_50, %logistic3A_51 : vector<400x128xf32>
    %slice3A_53 = vector.extract_strided_slice %add3A_33 {offsets = [0, 384], sizes = [400, 128], strides = [1, 1]} : vector<400x512xf32> to vector<400x128xf32>
    %tanh3A = math.tanh %slice3A_53 : vector<400x128xf32>
    %get3A_54 = arith.constant 0 : index
    %get3A_55 = arith.constant 0 : index
    %get3A_56 = vector.load %arg7[%get3A_54, %get3A_55] : memref<400x128xf32, #tpu.memory_space<vmem>>, vector<400x128xf32>
    %mul3A_57 = arith.mulf %logistic3A_45, %get3A_56 : vector<400x128xf32>
    %mul3A_58 = arith.mulf %logistic3A_38, %tanh3A : vector<400x128xf32>
    %add3A_59 = arith.addf %mul3A_57, %mul3A_58 : vector<400x128xf32>
    %tanh3A_60 = math.tanh %add3A_59 : vector<400x128xf32>
    %mul3A_61 = arith.mulf %logistic3A_52, %tanh3A_60 : vector<400x128xf32>
    %swap3A = arith.constant 0 : index
    %swap3A_62 = arith.constant 0 : index
    %swap3A_63 = vector.load %arg10[%swap3A, %swap3A_62] : memref<400x128xf32, #tpu.memory_space<vmem>>, vector<400x128xf32>
    tpu.vector_store %arg10[%swap3A, %swap3A_62], %mul3A_61 {strides = array<i32>} : memref<400x128xf32, #tpu.memory_space<vmem>>, vector<400x128xf32>,
    %swap3A_64 = arith.constant 0 : index
    %swap3A_65 = arith.constant 0 : index
    %swap3A_66 = vector.load %arg11[%swap3A_64, %swap3A_65] : memref<400x128xf32, #tpu.memory_space<vmem>>, vector<400x128xf32>
    tpu.vector_store %arg11[%swap3A_64, %swap3A_65], %add3A_59 {strides = array<i32>} : memref<400x128xf32, #tpu.memory_space<vmem>>, vector<400x128xf32>,
    return
  }
  func.func @transform_0(%arg0: i32) -> (i32, i32) {
    %c0_i32 = arith.constant 0 : i32
    %c0_i32_0 = arith.constant 0 : i32
    return %arg0, %c0_i32 : i32, i32
  }
  func.func @transform_1(%arg0: i32) -> (i32, i32) {
    %c0_i32 = arith.constant 0 : i32
    %c0_i32_0 = arith.constant 0 : i32
    return %arg0, %c0_i32 : i32, i32
  }
  func.func @transform_2(%arg0: i32) -> (i32, i32) {
    %c0_i32 = arith.constant 0 : i32
    %c0_i32_0 = arith.constant 0 : i32
    return %arg0, %c0_i32 : i32, i32
  }
  func.func @transform_3(%arg0: i32) -> (i32, i32) {
    %c0_i32 = arith.constant 0 : i32
    %c0_i32_0 = arith.constant 0 : i32
    return %arg0, %c0_i32 : i32, i32
  }
  func.func @transform_4(%arg0: i32) -> (i32, i32) {
    %c0_i32 = arith.constant 0 : i32
    %c0_i32_0 = arith.constant 0 : i32
    return %arg0, %c0_i32 : i32, i32
  }
  func.func @transform_5(%arg0: i32) -> (i32, i32) {
    %c0_i32 = arith.constant 0 : i32
    %c0_i32_0 = arith.constant 0 : i32
    return %arg0, %c0_i32 : i32, i32
  }
  func.func @transform_6(%arg0: i32) -> (i32, i32) {
    %c0_i32 = arith.constant 0 : i32
    %c0_i32_0 = arith.constant 0 : i32
    return %arg0, %c0_i32 : i32, i32
  }
  func.func @transform_7(%arg0: i32) -> (i32, i32) {
    %c0_i32 = arith.constant 0 : i32
    %c0_i32_0 = arith.constant 0 : i32
    %c0_i32_1 = arith.constant 0 : i32
    return %c0_i32, %c0_i32_0 : i32, i32
  }
  func.func @transform_8(%arg0: i32) -> (i32, i32) {
    %c0_i32 = arith.constant 0 : i32
    %c0_i32_0 = arith.constant 0 : i32
    %c0_i32_1 = arith.constant 0 : i32
    return %c0_i32, %c0_i32_0 : i32, i32
  }
  func.func @transform_9(%arg0: i32) -> (i32, i32) {
    %c0_i32 = arith.constant 0 : i32
    %c0_i32_0 = arith.constant 0 : i32
    return %arg0, %c0_i32 : i32, i32
  }
  func.func @transform_10(%arg0: i32) -> (i32, i32) {
    %c0_i32 = arith.constant 0 : i32
    %c0_i32_0 = arith.constant 0 : i32
    return %arg0, %c0_i32 : i32, i32
  }
}

</mosaic_0001>

<sc_bundles>
// kernel: kernel.6.cloned.1.call-start
scs
__scs_entry_jumppad:
0x0: {  	(pc) =	sbr.rel $0x88, $3  }
0x1: {  	(tag) =	ssettag $0x0;
	lr =	simm.s32 $0x1  }
0x2: {  	[smem:$0x3F95] =	sst lr;
	_ =	strace $0xD0000000  }
0x3: {  	_ = 	snop  }
0x4: {  	_ = 	snop  }
0x5: {  	_ = 	snop  }
0x6: {  	_ = 	snop  }
0x7: {  	_ = 	snop  }
__scs_overlays_trampoline_lowered:
0x8: {  	[smem:$0x3FA4] =	sst s0  }
0x9: {  	[smem:$0x3FA5] =	sst s1  }
0xa: {  	[smem:$0x3FA6] =	sst s2  }
0xb: {  	[smem:$0x3FA7] =	sst s3  }
0xc: {  	[smem:$0x3FA8] =	sst s4  }
0xd: {  	[smem:$0x3FA9] =	sst s5  }
0xe: {  	[smem:$0x3FAA] =	sst s6  }
0xf: {  	[smem:$0x3FAB] =	sst s7  }
0x10: {  	[smem:$0x3FAC] =	sst s8  }
0x11: {  	[smem:$0x3FAD] =	sst s9;
	s0 =	simm.s32 @!p0 $0x0  }
0x12: {  	s1 =	sld [smem:$0x3F93];
	s0 =	simm.s32 @p0 $0x1  }
0x13: {  	[smem:$0x3FAE] =	sst s0;
	s0 =	simm.s32 @!p1 $0x0  }
0x14: {  	s2 =	sld [smem:$0x3F92];
	s0 =	simm.s32 @p1 $0x1  }
0x15: {  	[smem:$0x3FAF] =	sst s0;
	s0 =	simm.s32 @!p2 $0x0  }
0x16: {  	s3 =	sld [smem:$0x3FDB];
	s0 =	simm.s32 @p2 $0x1  }
0x17: {  	s4 =	simm.s32 $0x1BF5;
	[smem:$0x3FB1] =	sst s0  }
0x18: {  	s0 =	sld [smem:$0x3F94];
	_ =	swait.ge [sflag:s4], $0x0  }
0x19: {  	s7 =	sld [smem:$0x3F95]  }
0x1a: {  	s8 =	sadd.s32 $0xFFFFE003, lr  }
0x1b: {  	s9 =	sadd.s32 $0xFFFFFEF7, lr;
	s5 =	simm.s32 $0xFFFFFFFF;
	p2 =	slt.u32 s8, $0xFFFFF086  }
0x1c: {  	p1 =	slt.u32 s9, $0xF7A;
	s5 =	simm.s32 @!p2 $0x0  }
0x1d: {  	s5 =	simm.s32 @p1 $0x1;
	p0 =	seq.s32 s7, s2  }
0x1e: {  	s7 =	smul.u32 @!p0 $0xF7A, s2;
	p2 =	seq.s32 @!p0 s5, $0x0  }
0x1f: {  	s9 =	smul.u32 $0xF7A, s1;
	s8 =	simm.s32 @!p0 $0x1BF5;
	p2 =	por !p2, p0  }
0x20: {  	[sflag:s8] =	ssyncset.s32 @!p0 $0xFFFFF086;
	s6 =	sadd.s32 @!p0 s3, s7;
	s7 =	simm.s32 @!p0 $0x108  }
0x21: {  	s3 =	sadd.s32 s3, s9;
	s6 =	sadd.s32 @!p0 $0x88, s6;
	s7 =	simm.s32 @p2 $0x1082  }
0x22: {  	[simem:s7], [sflag:s8] =	dma.local @!p0 [hbm:s6], $0xF7A  }
0x23: {  	s9 =	sor.u32 $0xD0000000, s2;
	s6 =	simm.s32 $0x108;
	_ =	swait.ge @!p0 [sflag:s8], $0x0  }
0x24: {  	s3 =	sadd.s32 $0x88, s3;
	s6 =	simm.s32 @!p1 $0x1082;
	[sflag:s4] =	ssyncset.s32 $0xFFFFF086  }
0x25: {  	[simem:s6], [sflag:s4] =	dma.local [hbm:s3], $0xF7A  }
0x26: {  	[smem:$0x3F95] =	sst s1;
	(tag) =	ssettag s2;
	_ =	strace s9  }
0x27: {  	s1 =	sld [smem:$0x3FA5]  }
0x28: {  	s2 =	sld [smem:$0x3FA6]  }
0x29: {  	s4 =	sld [smem:$0x3FA8]  }
0x2a: {  	p0 =	seq.s32 s5, $0x0;
	s5 =	sld [smem:$0x3FA9]  }
0x2b: {  	s6 =	sld [smem:$0x3FAA]  }
0x2c: {  	s7 =	sld [smem:$0x3FAB]  }
0x2d: {  	s3 =	simm.s32 $0x108;
	s8 =	sld [smem:$0x3FAC]  }
0x2e: {  	s3 =	simm.s32 @!p0 $0x1082;
	s9 =	sld [smem:$0x3FAD]  }
0x2f: {  	lr =	sadd.s32 s0, s3;
	s0 =	sld [smem:$0x3FA4]  }
0x30: {  	s3 =	sld [smem:$0x3FA7]  }
0x31: {  	[smem:$0x3FB0] =	sst s10  }
0x32: {  	s10 =	sld [smem:$0x3FAE];
	_ =	sdelay $0x3  }
0x33: {  	p0 =	seq.s32 s10, $0x1;
	s10 =	sld [smem:$0x3FB0];
	_ =	sdelay $0x3  }
0x34: {  	[smem:$0x3FB0] =	sst s10  }
0x35: {  	s10 =	sld [smem:$0x3FAF];
	_ =	sdelay $0x3  }
0x36: {  	p1 =	seq.s32 s10, $0x1;
	s10 =	sld [smem:$0x3FB0];
	_ =	sdelay $0x3  }
0x37: {  	[smem:$0x3FB0] =	sst s10  }
0x38: {  	s10 =	sld [smem:$0x3FB1]  }
0x39: {  	_ = 	snop;
	(pc) =	sbr.ind lr, $3  }
0x3a: {  	_ = 	snop  }
0x3b: {  	_ = 	snop  }
0x3c: {  	p2 =	seq.s32 s10, $0x1;
	s10 =	sld [smem:$0x3FB0]  }
0x3d: {  	_ =	shalt  }
0x3e: {  	_ =	shalt  }
0x3f: {  	_ =	shalt  }
0x40: {  	_ =	shalt  }
0x41: {  	_ =	shalt  }
0x42: {  	_ =	shalt  }
0x43: {  	_ =	shalt  }
0x44: {  	_ =	shalt  }
0x45: {  	_ =	shalt  }
0x46: {  	_ =	shalt  }
0x47: {  	_ =	shalt  }
0x48: {  	_ =	shalt  }
0x49: {  	_ =	shalt  }
0x4a: {  	_ =	shalt  }
0x4b: {  	_ =	shalt  }
0x4c: {  	_ =	shalt  }
0x4d: {  	_ =	shalt  }
0x4e: {  	_ =	shalt  }
0x4f: {  	_ =	shalt  }
0x50: {  	_ =	shalt  }
0x51: {  	_ =	shalt  }
0x52: {  	_ =	shalt  }
0x53: {  	_ =	shalt  }
0x54: {  	_ =	shalt  }
0x55: {  	_ =	shalt  }
0x56: {  	_ =	shalt  }
0x57: {  	_ =	shalt  }
0x58: {  	_ =	shalt  }
0x59: {  	_ =	shalt  }
0x5a: {  	_ =	shalt  }
0x5b: {  	_ =	shalt  }
0x5c: {  	_ =	shalt  }
0x5d: {  	_ =	shalt  }
0x5e: {  	_ =	shalt  }
0x5f: {  	_ =	shalt  }
0x60: {  	_ =	shalt  }
0x61: {  	_ =	shalt  }
0x62: {  	_ =	shalt  }
0x63: {  	_ =	shalt  }
0x64: {  	_ =	shalt  }
0x65: {  	_ =	shalt  }
0x66: {  	_ =	shalt  }
0x67: {  	_ =	shalt  }
0x68: {  	_ =	shalt  }
0x69: {  	_ =	shalt  }
0x6a: {  	_ =	shalt  }
0x6b: {  	_ =	shalt  }
0x6c: {  	_ =	shalt  }
0x6d: {  	_ =	shalt  }
0x6e: {  	_ =	shalt  }
0x6f: {  	_ =	shalt  }
0x70: {  	_ =	shalt  }
0x71: {  	_ =	shalt  }
0x72: {  	_ =	shalt  }
0x73: {  	_ =	shalt  }
0x74: {  	_ =	shalt  }
0x75: {  	_ =	shalt  }
0x76: {  	_ =	shalt  }
0x77: {  	_ =	shalt  }
0x78: {  	_ =	shalt  }
0x79: {  	_ =	shalt  }
0x7a: {  	_ =	shalt  }
0x7b: {  	_ =	shalt  }
0x7c: {  	_ =	shalt  }
0x7d: {  	_ =	shalt  }
0x7e: {  	_ =	shalt  }
0x7f: {  	_ =	shalt  }
0x80: {  	_ =	shalt  }
0x81: {  	_ =	shalt  }
0x82: {  	_ =	shalt  }
0x83: {  	_ =	shalt  }
0x84: {  	_ =	shalt  }
0x85: {  	_ =	shalt  }
0x86: {  	_ =	shalt  }
0x87: {  	_ =	shalt  }
.Lfunc_end0:
.L_simem_size_0:
called_computation_lowered:
.L_overlay_start_0:
0x88: {  	s2 =	sld [smem:$0x3FD9]  }
0x89: {  	s3 =	sld [smem:$0x3FFE];
	_ =	sdelay $0x1  }
0x8a: {  	s1 =	srdreg.scid  }
0x8b: {  	s0 =	sand.u32 $0x1, s1  }
0x8c: {  	s14 =	sshll.u32 s0, $0xA;
	s2 =	sadd.s32 s3, s2  }
0x8d: {  	s2 =	sadd.s32 s2, s14  }
0x8e: {  	[smem:$0x3FBC] =	sst s2  }
0x8f: {  	_ = 	snop  }
0x90: {  	s2 =	sld [smem:$0x3FD0];
	_ =	sdelay $0x2  }
0x91: {  	s15 =	simm.s32 $0xA;
	s4 =	simm.s32 $0x10  }
0x92: {  	[smem:s4], [sflag:s15] =	dma.local [hbm:s2], $0x1  }
0x93: {  	_ =	swait.eq [sflag:s15], $0x1  }
0x94: {  	[sflag:s15] =	ssyncset.done $0x0  }
0x95: {  	s16 =	sld [smem:$0x10];
	[sflag:s15] =	ssyncadd.s32 $0xFFFFFFFF  }
0x96: {  	s17 =	sld [smem:$0x11];
	(tm) =	ssettm $0x1  }
0x97: {  	s18 =	sld [smem:$0x3FFB];
	_ =	sdelay $0x3  }
0x98: {  	_ =	strace s18  }
0x99: {  	s4 =	sld [smem:$0x3FFC];
	_ =	sdelay $0x3  }
0x9a: {  	_ =	strace s4  }
0x9b: {  	s4 =	sld [smem:$0x3FFD];
	_ =	sdelay $0x3  }
0x9c: {  	_ =	strace s4  }
0x9d: {  	_ =	strace $0x8FFFFFFF  }
0x9e: {  	s19 =	sld [smem:$0x3FDB];
	_ =	sdelay $0x1  }
0x9f: {  	s5 =	simm.s32 $_scs_section_size  }
0xa0: {  	s6 =	simm.s32 $_size__tile_overlayer_lowered;
	s7 =	simm.s32 $_tile_overlayer_lowered  }
0xa1: {  	s22 =	simm.s32 $0x1BFF;
	s21 =	sshll.u32 s7, $0x1;
	s4 =	sadd.s32 s5, s19  }
0xa2: {  	s8 =	simm.s32 $0x0;
	s20 =	sshll.u32 s6, $0x1;
	s6 =	sadd.s32 s21, s4  }
0xa3: {  	[timem:s8], [sflag:s22] =	dma.local [hbm:s6], s20  }
0xa4: {  	_ =	swait.ge [sflag:s22], s20  }
0xa5: {  	s5 =	ssub.s32 $0x0, s20;
	[sflag:s22] =	ssyncset.done $0x0  }
0xa6: {  	[sflag:s22] =	ssyncadd.s32 s5;
	_ =	sdelay $0x1  }
0xa7: {  	s23 =	simm.s32 $0x1B8B  }
0xa8: {  	_ =	swait.ge [sflag:s23], $0x1  }
0xa9: {  	[sflag:s23] =	ssyncset.done $0x0  }
0xaa: {  	s25 =	simm.s32 $0x1B8E;
	s24 =	sld [smem:$0x3FFE];
	[sflag:s23] =	ssyncadd.s32 $0xFFFFFFFF  }
0xab: {  	s26 =	simm.s32 $execute0_lowered;
	[smem:$0x3FD2] =	sst s25  }
0xac: {  	s6 =	sshll.u32 s26, $0x1;
	_ =	strace $0x80000046;
	[dreg:$0x1] =	wrdreg $0xFFFFFFFF  }
0xad: {  	s28 =	simm.s32 $_size_execute0_lowered;
	s4 =	sadd.s32 s4, s6;
	[dreg:$0x0] =	wrdreg $0x0  }
0xae: {  	s6 =	sshll.u32 s28, $0x1;
	[dreg:$0x2] =	wrdreg s4  }
0xaf: {  	[dreg:$0x3] =	wrdreg s6  }
0xb0: {  	[dreg:$0x4] =	wrdreg $0xC0  }
0xb1: {  	_ =	task [dreg:s8], $0x5FFFF  }
0xb2: {  	[dreg:$0x1] =	wrdreg $0xFFFFFFFF  }
0xb3: {  	[dreg:$0x0] =	wrdreg $0x60  }
0xb4: {  	[dreg:$0x2] =	wrdreg s17  }
0xb5: {  	[dreg:$0x3] =	wrdreg s24  }
0xb6: {  	[dreg:$0x4] =	wrdreg s16  }
0xb7: {  	[dreg:$0x5] =	wrdreg $0x0  }
0xb8: {  	[dreg:$0x6] =	wrdreg $0x9  }
0xb9: {  	_ =	task.clear_ibuf [dreg:s8], $0x7FFFF;
	_ =	strace $0x90000046  }
0xba: {  	s29 =	simm.s32 $0x9;
	_ =	strace $0x80000048  }
0xbb: {  	_ =	swait.ge [sflag:s29], $0x1  }
0xbc: {  	[sflag:s29] =	ssyncadd.s32 $0xFFFFFFFF  }
0xbd: {  	_ =	strace $0x90000048  }
0xbe: {  	_ =	sfence  }
0xbf: {  	s30 =	sld [smem:$0x0];
	_ =	sdelay $0x2  }
0xc0: {  	s31 =	sshll.u32 s1, $0xD;
	s1 =	sshrl.u32 s1, $0x2  }
0xc1: {  	s3 =	sand.u32 $0x4000, s31;
	s1 =	sadd.s32 s1, s30  }
0xc2: {  	s0 =	sor.u32 s3, s0;
	s1 =	sshll.u32 s1, $0x11  }
0xc3: {  	s0 =	sor.u32 s1, s0  }
0xc4: {  	s0 =	sadd.s32 $0x8F2B, s0  }
0xc5: {  	[sflag:s0] =	ssyncadd.remote.s32 $0x1  }
0xc6: {  	_ =	sfence.sel $0xFFFF  }
0xc7: {  	[dreg:$0x0] =	wrdreg $0xFFFFFFFF;
	(pc) =	sbr.abs _section_cstart, $3  }
0xc8: {  	[dreg:$0x1] =	wrdreg $0xFFFFFFFF  }
0xc9: {  	_ =	task.clear_ibuf [dreg:s8], $0x2FFFF;
	_ =	strace $0x9FFFFFFF  }
0xca: {  	(tm) =	ssettm $0x7FFFFFFF  }
0xcb: {  	_ =	shalt  }
tec
execute0_lowered:
.L_overlay_start_1:
0x0: {  	(tag) =	ssettag $0x1  }
0x1: {  	s7 =	rddreg [dreg:$0x0]  }
0x2: {  	s8 =	rddreg [dreg:$0x1]  }
0x3: {  	s1 =	rddreg [dreg:$0x2]  }
0x4: {  	s3 =	rddreg [dreg:$0x3]  }
0x5: {  	s0 =	rddreg [dreg:$0x4]  }
0x6: {  	s4 =	simm.s32 $0x0;
	s5 =	srdreg.scid;
	s2 =	stileid.u32  }
0x7: {  	s14 =	simm.s32 $0x80;
	s15 =	simm.s32 $0x1;
	s16 =	simm.s32 $0x0  }
0x8: {  	[smem:$0x7FF] =	sst s4;
	s6 =	sand.u32 $0x1, s5;
	s9 =	smul.u32 $0x4F000, s2  }
0x9: {  	s5 =	sadd.s32 $0x4A00, s8;
	s30 =	sshll.u32 s2, $0x6;
	s13 =	smul.u32 $0x2780, s2  }
0xa: {  	_ =	strace $0x80000047;
	s10 =	ssub.s32 $0x2, s6;
	s12 =	sshll.u32 s6, $0x4  }
0xb: {  	p0 =	seq.s32 s6, $0x1;
	s6 =	sor.u32 $0x1C02, s30;
	s11 =	sshrl.u32 s10, $0x1  }
0xc: {  	s9 =	sshrl.u32 s9, $0x2;
	s29 =	sor.u32 s2, s12;
	s12 =	simm.s32 $0x2EA00  }
0xd: {  	s10 =	ssub.s32 s10, s11;
	s28 =	sadd.s32 s9, s3;
	s12 =	simm.s32 @!p0 $0x7200  }
0xe: {  	s9 =	smul.u32 $0x500, s29;
	s11 =	simm.s32 $0x2;
	s31 =	sadd.s32 s12, s8  }
0xf: {  	s8 =	smax.u32 s10, $0x1;
	s10 =	sshrl.u32 s28, $0x3;
	s12 =	simm.s32 $0x16400  }
0x10: {  	s7 =	sadd.s32 s7, s9;
	s9 =	sadd.s32 s31, s13;
	s13 =	simm.s32 $0x13C00  }
.LBB2_1:
0x11: {  	[spmem:s10], [sflag:s6] =	dma.local [hbm:s5], $0x2780  }
0x12: {  	_ =	swait.ge [sflag:s11], $0x2780  }
0x13: {  	[sflag:s11] =	ssyncset.done $0x0  }
0x14: {  	[sflag:s11] =	ssyncadd.s32 $0xFFFFD880  }
0x15: {  	[tilespmem:s12], [sflag:$0x2] =	stream.linear.gather [hbm4b:s1+s4], $0x4000, $0x38;
	[tilespmem:$0x1A400] =	vst v63  }
0x16: {  	_ =	swait.ge [sflag:s11], $0x4000  }
0x17: {  	[sflag:s11] =	ssyncset.done $0x0  }
0x18: {  	[sflag:s11] =	ssyncadd.s32 $0xFFFFC000  }
0x19: {  	[tilespmem:s13], [sflag:$0x2] =	stream.linear.gather [hbm4b:s7+s4], $0x2800, $0x38;
	[tilespmem:$0x1A400] =	vst v63  }
0x1a: {  	_ =	swait.ge [sflag:s11], $0x2800  }
0x1b: {  	[sflag:s11] =	ssyncset.done $0x0  }
0x1c: {  	[sflag:s11] =	ssyncadd.s32 $0xFFFFD800  }
0x1d: {  	s17 =	simm.s32 $0x13C00;
	[bflag:$0x0] =	sbarrier.arrive $0xFFFF  }
0x1e: {  	[spmem:s3] =	stream.indirect.scatter.add.f32 [tilespmem:s12], [sflag:$0x1], $0x80, s17, s14, $0xb8;
	[tilespmem:$0x1A400] =	vst v63  }
0x1f: {  	s24 =	simm.s32 $0x13C80  }
0x20: {  	[spmem:s3] =	stream.indirect.scatter.add.f32 [tilespmem:s12], [sflag:$0x1], $0x80, s24, s14, $0xb8;
	[tilespmem:$0x1A400] =	vst v63  }
0x21: {  	s25 =	simm.s32 $0x13D00  }
0x22: {  	[spmem:s3] =	stream.indirect.scatter.add.f32 [tilespmem:s12], [sflag:$0x1], $0x80, s25, s14, $0xb8;
	[tilespmem:$0x1A400] =	vst v63  }
0x23: {  	s26 =	simm.s32 $0x13D80  }
0x24: {  	[spmem:s3] =	stream.indirect.scatter.add.f32 [tilespmem:s12], [sflag:$0x1], $0x80, s26, s14, $0xb8;
	[tilespmem:$0x1A400] =	vst v63  }
0x25: {  	s28 =	simm.s32 $0x13E00  }
0x26: {  	[spmem:s3] =	stream.indirect.scatter.add.f32 [tilespmem:s12], [sflag:$0x1], $0x80, s28, s14, $0xb8;
	[tilespmem:$0x1A400] =	vst v63  }
0x27: {  	s29 =	simm.s32 $0x13E80  }
0x28: {  	[spmem:s3] =	stream.indirect.scatter.add.f32 [tilespmem:s12], [sflag:$0x1], $0x80, s29, s14, $0xb8;
	[tilespmem:$0x1A400] =	vst v63  }
0x29: {  	s30 =	simm.s32 $0x13F00  }
0x2a: {  	[spmem:s3] =	stream.indirect.scatter.add.f32 [tilespmem:s12], [sflag:$0x1], $0x80, s30, s14, $0xb8;
	[tilespmem:$0x1A400] =	vst v63  }
0x2b: {  	s31 =	simm.s32 $0x13F80  }
0x2c: {  	[spmem:s3] =	stream.indirect.scatter.add.f32 [tilespmem:s12], [sflag:$0x1], $0x80, s31, s14, $0xb8;
	[tilespmem:$0x1A400] =	vst v63  }
0x2d: {  	_ =	swait.ge [sflag:s15], $0x4000  }
0x2e: {  	[sflag:s15] =	ssyncset.done $0x0  }
0x2f: {  	[sflag:s15] =	ssyncadd.s32 $0xFFFFC000  }
0x30: {  	_ =	swait.ge [sflag:s15], $0x4000  }
0x31: {  	[sflag:s15] =	ssyncset.done $0x0  }
0x32: {  	[sflag:s15] =	ssyncadd.s32 $0xFFFFC000  }
0x33: {  	_ =	swait.ge [sflag:s15], $0x4000  }
0x34: {  	[sflag:s15] =	ssyncset.done $0x0  }
0x35: {  	[sflag:s15] =	ssyncadd.s32 $0xFFFFC000  }
0x36: {  	_ =	swait.ge [sflag:s15], $0x4000  }
0x37: {  	[sflag:s15] =	ssyncset.done $0x0  }
0x38: {  	[sflag:s15] =	ssyncadd.s32 $0xFFFFC000  }
0x39: {  	_ =	swait.ge [sflag:s15], $0x4000  }
0x3a: {  	[sflag:s15] =	ssyncset.done $0x0  }
0x3b: {  	[sflag:s15] =	ssyncadd.s32 $0xFFFFC000  }
0x3c: {  	_ =	swait.ge [sflag:s15], $0x4000  }
0x3d: {  	[sflag:s15] =	ssyncset.done $0x0  }
0x3e: {  	[sflag:s15] =	ssyncadd.s32 $0xFFFFC000  }
0x3f: {  	_ =	swait.ge [sflag:s15], $0x4000  }
0x40: {  	[sflag:s15] =	ssyncset.done $0x0  }
0x41: {  	[sflag:s15] =	ssyncadd.s32 $0xFFFFC000  }
0x42: {  	_ =	swait.ge [sflag:s15], $0x4000  }
0x43: {  	s20 =	simm.s32 $0x2000;
	s19 =	simm.s32 $0x400;
	[sflag:s15] =	ssyncset.done $0x0  }
.LBB2_2:
0x44: {  	s21 =	sadd.s32 $0x13C00, s19  }
0x45: {  	[sflag:s15] =	ssyncadd.s32 $0xFFFFC000;
	s18 =	smov.u32 s20;
	s17 =	sadd.s32 $0x1000, s20  }
0x46: {  	[spmem:s3] =	stream.indirect.scatter.add.f32 [tilespmem:s12], [sflag:$0x1], $0x80, s21, s14, $0xb8;
	[tilespmem:$0x1A400] =	vst v63  }
0x47: {  	p0 =	sne.s32 s20, $0x9000;
	s20 =	sadd.s32 $0x13C80, s19  }
0x48: {  	[spmem:s3] =	stream.indirect.scatter.add.f32 [tilespmem:s12], [sflag:$0x1], $0x80, s20, s14, $0xb8;
	[tilespmem:$0x1A400] =	vst v63  }
0x49: {  	s20 =	sadd.s32 $0x13D00, s19  }
0x4a: {  	[spmem:s3] =	stream.indirect.scatter.add.f32 [tilespmem:s12], [sflag:$0x1], $0x80, s20, s14, $0xb8;
	[tilespmem:$0x1A400] =	vst v63  }
0x4b: {  	s20 =	sadd.s32 $0x13D80, s19  }
0x4c: {  	[spmem:s3] =	stream.indirect.scatter.add.f32 [tilespmem:s12], [sflag:$0x1], $0x80, s20, s14, $0xb8;
	[tilespmem:$0x1A400] =	vst v63  }
0x4d: {  	s20 =	sadd.s32 $0x13E00, s19  }
0x4e: {  	[spmem:s3] =	stream.indirect.scatter.add.f32 [tilespmem:s12], [sflag:$0x1], $0x80, s20, s14, $0xb8;
	[tilespmem:$0x1A400] =	vst v63  }
0x4f: {  	s20 =	sadd.s32 $0x13E80, s19  }
0x50: {  	[spmem:s3] =	stream.indirect.scatter.add.f32 [tilespmem:s12], [sflag:$0x1], $0x80, s20, s14, $0xb8;
	[tilespmem:$0x1A400] =	vst v63  }
0x51: {  	s20 =	sadd.s32 $0x13F00, s19  }
0x52: {  	[spmem:s3] =	stream.indirect.scatter.add.f32 [tilespmem:s12], [sflag:$0x1], $0x80, s20, s14, $0xb8;
	[tilespmem:$0x1A400] =	vst v63  }
0x53: {  	s19 =	sadd.s32 $0x13F80, s19  }
0x54: {  	[spmem:s3] =	stream.indirect.scatter.add.f32 [tilespmem:s12], [sflag:$0x1], $0x80, s19, s14, $0xb8;
	[tilespmem:$0x1A400] =	vst v63  }
0x55: {  	_ =	swait.ge [sflag:s15], $0x4000  }
0x56: {  	[sflag:s15] =	ssyncset.done $0x0  }
0x57: {  	[sflag:s15] =	ssyncadd.s32 $0xFFFFC000  }
0x58: {  	_ =	swait.ge [sflag:s15], $0x4000  }
0x59: {  	[sflag:s15] =	ssyncset.done $0x0  }
0x5a: {  	[sflag:s15] =	ssyncadd.s32 $0xFFFFC000  }
0x5b: {  	_ =	swait.ge [sflag:s15], $0x4000  }
0x5c: {  	[sflag:s15] =	ssyncset.done $0x0  }
0x5d: {  	[sflag:s15] =	ssyncadd.s32 $0xFFFFC000  }
0x5e: {  	_ =	swait.ge [sflag:s15], $0x4000  }
0x5f: {  	[sflag:s15] =	ssyncset.done $0x0  }
0x60: {  	[sflag:s15] =	ssyncadd.s32 $0xFFFFC000  }
0x61: {  	_ =	swait.ge [sflag:s15], $0x4000  }
0x62: {  	[sflag:s15] =	ssyncset.done $0x0  }
0x63: {  	[sflag:s15] =	ssyncadd.s32 $0xFFFFC000  }
0x64: {  	_ =	swait.ge [sflag:s15], $0x4000  }
0x65: {  	[sflag:s15] =	ssyncset.done $0x0  }
0x66: {  	[sflag:s15] =	ssyncadd.s32 $0xFFFFC000  }
.Ltmp0:
0x67: {  	_ =	swait.ge [sflag:s15], $0x4000;
	(pc) =	sbr.rel @p0 .LBB2_2-.Ltmp0, $4  }
0x68: {  	[sflag:s15] =	ssyncset.done $0x0  }
0x69: {  	[sflag:s15] =	ssyncadd.s32 $0xFFFFC000  }
0x6a: {  	_ =	swait.ge [sflag:s15], $0x4000  }
0x6b: {  	s20 =	smov.u32 s17;
	s19 =	sshra.s32 s18, $0x2;
	[sflag:s15] =	ssyncset.done $0x0  }
0x6c: {  	s17 =	sadd.s32 $0x13C00, s19;
	[sflag:s15] =	ssyncadd.s32 $0xFFFFC000  }
0x6d: {  	[spmem:s3] =	stream.indirect.scatter.add.f32 [tilespmem:s12], [sflag:$0x1], $0x80, s17, s14, $0xb8;
	[tilespmem:$0x1A400] =	vst v63  }
0x6e: {  	s24 =	sadd.s32 $0x13C80, s19  }
0x6f: {  	[spmem:s3] =	stream.indirect.scatter.add.f32 [tilespmem:s12], [sflag:$0x1], $0x80, s24, s14, $0xb8;
	[tilespmem:$0x1A400] =	vst v63  }
0x70: {  	s25 =	sadd.s32 $0x13D00, s19  }
0x71: {  	[spmem:s3] =	stream.indirect.scatter.add.f32 [tilespmem:s12], [sflag:$0x1], $0x80, s25, s14, $0xb8;
	[tilespmem:$0x1A400] =	vst v63  }
0x72: {  	s26 =	sadd.s32 $0x13D80, s19  }
0x73: {  	[spmem:s3] =	stream.indirect.scatter.add.f32 [tilespmem:s12], [sflag:$0x1], $0x80, s26, s14, $0xb8;
	[tilespmem:$0x1A400] =	vst v63  }
0x74: {  	s28 =	sadd.s32 $0x13E00, s19  }
0x75: {  	[spmem:s3] =	stream.indirect.scatter.add.f32 [tilespmem:s12], [sflag:$0x1], $0x80, s28, s14, $0xb8;
	[tilespmem:$0x1A400] =	vst v63  }
0x76: {  	s29 =	sadd.s32 $0x13E80, s19  }
0x77: {  	[spmem:s3] =	stream.indirect.scatter.add.f32 [tilespmem:s12], [sflag:$0x1], $0x80, s29, s14, $0xb8;
	[tilespmem:$0x1A400] =	vst v63  }
0x78: {  	s30 =	sadd.s32 $0x13F00, s19  }
0x79: {  	[spmem:s3] =	stream.indirect.scatter.add.f32 [tilespmem:s12], [sflag:$0x1], $0x80, s30, s14, $0xb8;
	[tilespmem:$0x1A400] =	vst v63  }
0x7a: {  	s31 =	sadd.s32 $0x13F80, s19  }
0x7b: {  	[spmem:s3] =	stream.indirect.scatter.add.f32 [tilespmem:s12], [sflag:$0x1], $0x80, s31, s14, $0xb8;
	[tilespmem:$0x1A400] =	vst v63  }
0x7c: {  	_ =	swait.ge [sflag:s15], $0x4000  }
0x7d: {  	[sflag:s15] =	ssyncset.done $0x0  }
0x7e: {  	[sflag:s15] =	ssyncadd.s32 $0xFFFFC000  }
0x7f: {  	_ =	swait.ge [sflag:s15], $0x4000  }
0x80: {  	[sflag:s15] =	ssyncset.done $0x0  }
0x81: {  	[sflag:s15] =	ssyncadd.s32 $0xFFFFC000  }
0x82: {  	_ =	swait.ge [sflag:s15], $0x4000  }
0x83: {  	[sflag:s15] =	ssyncset.done $0x0  }
0x84: {  	[sflag:s15] =	ssyncadd.s32 $0xFFFFC000  }
0x85: {  	_ =	swait.ge [sflag:s15], $0x4000  }
0x86: {  	[sflag:s15] =	ssyncset.done $0x0  }
0x87: {  	[sflag:s15] =	ssyncadd.s32 $0xFFFFC000  }
0x88: {  	_ =	swait.ge [sflag:s15], $0x4000  }
0x89: {  	[sflag:s15] =	ssyncset.done $0x0  }
0x8a: {  	[sflag:s15] =	ssyncadd.s32 $0xFFFFC000  }
0x8b: {  	_ =	swait.ge [sflag:s15], $0x4000  }
0x8c: {  	[sflag:s15] =	ssyncset.done $0x0  }
0x8d: {  	[sflag:s15] =	ssyncadd.s32 $0xFFFFC000  }
0x8e: {  	_ =	swait.ge [sflag:s15], $0x4000  }
0x8f: {  	[sflag:s15] =	ssyncset.done $0x0  }
0x90: {  	[sflag:s15] =	ssyncadd.s32 $0xFFFFC000  }
0x91: {  	_ =	swait.ge [sflag:s15], $0x4000  }
0x92: {  	s16 =	sadd.s32 $0x1, s16;
	[sflag:s15] =	ssyncset.done $0x0  }
0x93: {  	p0 =	sne.s32 s16, s8;
	[sflag:s15] =	ssyncadd.s32 $0xFFFFC000  }
.Ltmp1:
0x94: {  	[bflag:$0x0] =	sbarrier.arrive $0xFFFF;
	(pc) =	sbr.rel @p0 .LBB2_1-.Ltmp1, $4  }
0x95: {  	[hbm:s9], [sflag:s6] =	dma.local [spmem:s10], $0x2780  }
0x96: {  	_ =	swait.ge [sflag:s11], $0x2780  }
0x97: {  	[sflag:s11] =	ssyncset.done $0x0  }
0x98: {  	[sflag:s11] =	ssyncadd.s32 $0xFFFFD880  }
0x99: {  	_ =	sfence.sel $0x180000  }
0x9a: {  	[bflag:$0x0] =	sbarrier.arrive $0xFFFF  }
0x9b: {  	p0 =	sne.s32 s2, $0x0;
	_ =	strace $0x90000047  }
0x9c: {  	s0 =	sadd.s32 @!p0 $0x100000, s0;
	[bflag:$0x2] =	sbarrier.arrive $0xFFFF  }
0x9d: {  	[sflag:s0] =	ssyncadd.tile.s32 @!p0 $0x1;
	_ =	shalt  }
.Lfunc_end2:
_tile_overlayer_lowered:
.L_overlay_start_2:
0x9e: {  	(tag) =	ssettag $0x2  }
0x9f: {  	s0 =	rddreg [dreg:$0x0];
	s2 =	stileid.u32  }
0xa0: {  	s1 =	rddreg [dreg:$0x1];
	p0 =	sne.s32 s2, $0x0  }
0xa1: {  	s3 =	rddreg [dreg:$0x2];
	[bflag:$0x3] =	sbarrier.arrive $0xFFFF;
	s2 =	simm.s32 @!p0 $0x1C02  }
0xa2: {  	[timem:s3], [sflag:s2] =	dma.local @!p0 [hbm:s0], s1  }
0xa3: {  	s0 =	simm.s32 @!p0 $0x2  }
0xa4: {  	_ =	swait.ge @!p0 [sflag:s0], s1  }
0xa5: {  	s1 =	ssub.s32 @!p0 $0x0, s1;
	[sflag:s0] =	ssyncset.done @!p0 $0x0  }
0xa6: {  	[sflag:s0] =	ssyncadd.s32 @!p0 s1  }
0xa7: {  	[bflag:$0x3] =	sbarrier.arrive $0xFFFF  }
0xa8: {  	_ =	shalt  }

// kernel: kernel.9.cloned.1.call-start
scs
__scs_entry_jumppad:
0x0: {  	(pc) =	sbr.rel $0x88, $3  }
0x1: {  	(tag) =	ssettag $0x0;
	lr =	simm.s32 $0x1  }
0x2: {  	[smem:$0x3F95] =	sst lr;
	_ =	strace $0xD0000000  }
0x3: {  	_ = 	snop  }
0x4: {  	_ = 	snop  }
0x5: {  	_ = 	snop  }
0x6: {  	_ = 	snop  }
0x7: {  	_ = 	snop  }
__scs_overlays_trampoline_lowered:
0x8: {  	[smem:$0x3FA4] =	sst s0  }
0x9: {  	[smem:$0x3FA5] =	sst s1  }
0xa: {  	[smem:$0x3FA6] =	sst s2  }
0xb: {  	[smem:$0x3FA7] =	sst s3  }
0xc: {  	[smem:$0x3FA8] =	sst s4  }
0xd: {  	[smem:$0x3FA9] =	sst s5  }
0xe: {  	[smem:$0x3FAA] =	sst s6  }
0xf: {  	[smem:$0x3FAB] =	sst s7  }
0x10: {  	[smem:$0x3FAC] =	sst s8  }
0x11: {  	[smem:$0x3FAD] =	sst s9;
	s0 =	simm.s32 @!p0 $0x0  }
0x12: {  	s1 =	sld [smem:$0x3F93];
	s0 =	simm.s32 @p0 $0x1  }
0x13: {  	[smem:$0x3FAE] =	sst s0;
	s0 =	simm.s32 @!p1 $0x0  }
0x14: {  	s2 =	sld [smem:$0x3F92];
	s0 =	simm.s32 @p1 $0x1  }
0x15: {  	[smem:$0x3FAF] =	sst s0;
	s0 =	simm.s32 @!p2 $0x0  }
0x16: {  	s3 =	sld [smem:$0x3FDB];
	s0 =	simm.s32 @p2 $0x1  }
0x17: {  	s4 =	simm.s32 $0x1BF5;
	[smem:$0x3FB1] =	sst s0  }
0x18: {  	s0 =	sld [smem:$0x3F94];
	_ =	swait.ge [sflag:s4], $0x0  }
0x19: {  	s7 =	sld [smem:$0x3F95]  }
0x1a: {  	s8 =	sadd.s32 $0xFFFFE003, lr  }
0x1b: {  	s9 =	sadd.s32 $0xFFFFFEF7, lr;
	s5 =	simm.s32 $0xFFFFFFFF;
	p2 =	slt.u32 s8, $0xFFFFF086  }
0x1c: {  	p1 =	slt.u32 s9, $0xF7A;
	s5 =	simm.s32 @!p2 $0x0  }
0x1d: {  	s5 =	simm.s32 @p1 $0x1;
	p0 =	seq.s32 s7, s2  }
0x1e: {  	s7 =	smul.u32 @!p0 $0xF7A, s2;
	p2 =	seq.s32 @!p0 s5, $0x0  }
0x1f: {  	s9 =	smul.u32 $0xF7A, s1;
	s8 =	simm.s32 @!p0 $0x1BF5;
	p2 =	por !p2, p0  }
0x20: {  	[sflag:s8] =	ssyncset.s32 @!p0 $0xFFFFF086;
	s6 =	sadd.s32 @!p0 s3, s7;
	s7 =	simm.s32 @!p0 $0x108  }
0x21: {  	s3 =	sadd.s32 s3, s9;
	s6 =	sadd.s32 @!p0 $0x88, s6;
	s7 =	simm.s32 @p2 $0x1082  }
0x22: {  	[simem:s7], [sflag:s8] =	dma.local @!p0 [hbm:s6], $0xF7A  }
0x23: {  	s9 =	sor.u32 $0xD0000000, s2;
	s6 =	simm.s32 $0x108;
	_ =	swait.ge @!p0 [sflag:s8], $0x0  }
0x24: {  	s3 =	sadd.s32 $0x88, s3;
	s6 =	simm.s32 @!p1 $0x1082;
	[sflag:s4] =	ssyncset.s32 $0xFFFFF086  }
0x25: {  	[simem:s6], [sflag:s4] =	dma.local [hbm:s3], $0xF7A  }
0x26: {  	[smem:$0x3F95] =	sst s1;
	(tag) =	ssettag s2;
	_ =	strace s9  }
0x27: {  	s1 =	sld [smem:$0x3FA5]  }
0x28: {  	s2 =	sld [smem:$0x3FA6]  }
0x29: {  	s4 =	sld [smem:$0x3FA8]  }
0x2a: {  	p0 =	seq.s32 s5, $0x0;
	s5 =	sld [smem:$0x3FA9]  }
0x2b: {  	s6 =	sld [smem:$0x3FAA]  }
0x2c: {  	s7 =	sld [smem:$0x3FAB]  }
0x2d: {  	s3 =	simm.s32 $0x108;
	s8 =	sld [smem:$0x3FAC]  }
0x2e: {  	s3 =	simm.s32 @!p0 $0x1082;
	s9 =	sld [smem:$0x3FAD]  }
0x2f: {  	lr =	sadd.s32 s0, s3;
	s0 =	sld [smem:$0x3FA4]  }
0x30: {  	s3 =	sld [smem:$0x3FA7]  }
0x31: {  	[smem:$0x3FB0] =	sst s10  }
0x32: {  	s10 =	sld [smem:$0x3FAE];
	_ =	sdelay $0x3  }
0x33: {  	p0 =	seq.s32 s10, $0x1;
	s10 =	sld [smem:$0x3FB0];
	_ =	sdelay $0x3  }
0x34: {  	[smem:$0x3FB0] =	sst s10  }
0x35: {  	s10 =	sld [smem:$0x3FAF];
	_ =	sdelay $0x3  }
0x36: {  	p1 =	seq.s32 s10, $0x1;
	s10 =	sld [smem:$0x3FB0];
	_ =	sdelay $0x3  }
0x37: {  	[smem:$0x3FB0] =	sst s10  }
0x38: {  	s10 =	sld [smem:$0x3FB1]  }
0x39: {  	_ = 	snop;
	(pc) =	sbr.ind lr, $3  }
0x3a: {  	_ = 	snop  }
0x3b: {  	_ = 	snop  }
0x3c: {  	p2 =	seq.s32 s10, $0x1;
	s10 =	sld [smem:$0x3FB0]  }
0x3d: {  	_ =	shalt  }
0x3e: {  	_ =	shalt  }
0x3f: {  	_ =	shalt  }
0x40: {  	_ =	shalt  }
0x41: {  	_ =	shalt  }
0x42: {  	_ =	shalt  }
0x43: {  	_ =	shalt  }
0x44: {  	_ =	shalt  }
0x45: {  	_ =	shalt  }
0x46: {  	_ =	shalt  }
0x47: {  	_ =	shalt  }
0x48: {  	_ =	shalt  }
0x49: {  	_ =	shalt  }
0x4a: {  	_ =	shalt  }
0x4b: {  	_ =	shalt  }
0x4c: {  	_ =	shalt  }
0x4d: {  	_ =	shalt  }
0x4e: {  	_ =	shalt  }
0x4f: {  	_ =	shalt  }
0x50: {  	_ =	shalt  }
0x51: {  	_ =	shalt  }
0x52: {  	_ =	shalt  }
0x53: {  	_ =	shalt  }
0x54: {  	_ =	shalt  }
0x55: {  	_ =	shalt  }
0x56: {  	_ =	shalt  }
0x57: {  	_ =	shalt  }
0x58: {  	_ =	shalt  }
0x59: {  	_ =	shalt  }
0x5a: {  	_ =	shalt  }
0x5b: {  	_ =	shalt  }
0x5c: {  	_ =	shalt  }
0x5d: {  	_ =	shalt  }
0x5e: {  	_ =	shalt  }
0x5f: {  	_ =	shalt  }
0x60: {  	_ =	shalt  }
0x61: {  	_ =	shalt  }
0x62: {  	_ =	shalt  }
0x63: {  	_ =	shalt  }
0x64: {  	_ =	shalt  }
0x65: {  	_ =	shalt  }
0x66: {  	_ =	shalt  }
0x67: {  	_ =	shalt  }
0x68: {  	_ =	shalt  }
0x69: {  	_ =	shalt  }
0x6a: {  	_ =	shalt  }
0x6b: {  	_ =	shalt  }
0x6c: {  	_ =	shalt  }
0x6d: {  	_ =	shalt  }
0x6e: {  	_ =	shalt  }
0x6f: {  	_ =	shalt  }
0x70: {  	_ =	shalt  }
0x71: {  	_ =	shalt  }
0x72: {  	_ =	shalt  }
0x73: {  	_ =	shalt  }
0x74: {  	_ =	shalt  }
0x75: {  	_ =	shalt  }
0x76: {  	_ =	shalt  }
0x77: {  	_ =	shalt  }
0x78: {  	_ =	shalt  }
0x79: {  	_ =	shalt  }
0x7a: {  	_ =	shalt  }
0x7b: {  	_ =	shalt  }
0x7c: {  	_ =	shalt  }
0x7d: {  	_ =	shalt  }
0x7e: {  	_ =	shalt  }
0x7f: {  	_ =	shalt  }
0x80: {  	_ =	shalt  }
0x81: {  	_ =	shalt  }
0x82: {  	_ =	shalt  }
0x83: {  	_ =	shalt  }
0x84: {  	_ =	shalt  }
0x85: {  	_ =	shalt  }
0x86: {  	_ =	shalt  }
0x87: {  	_ =	shalt  }
.Lfunc_end0:
.L_simem_size_0:
called_computation.1_lowered:
.L_overlay_start_0:
0x88: {  	s2 =	sld [smem:$0x3FD9]  }
0x89: {  	s3 =	sld [smem:$0x3FFE];
	_ =	sdelay $0x1  }
0x8a: {  	s1 =	srdreg.scid  }
0x8b: {  	s0 =	sand.u32 $0x1, s1  }
0x8c: {  	s14 =	sshll.u32 s0, $0xA;
	s2 =	sadd.s32 s3, s2  }
0x8d: {  	s2 =	sadd.s32 s2, s14  }
0x8e: {  	[smem:$0x3FBC] =	sst s2  }
0x8f: {  	_ = 	snop  }
0x90: {  	s2 =	sld [smem:$0x3FD0];
	_ =	sdelay $0x2  }
0x91: {  	s15 =	simm.s32 $0xA;
	s4 =	simm.s32 $0x10  }
0x92: {  	[smem:s4], [sflag:s15] =	dma.local [hbm:s2], $0x1  }
0x93: {  	_ =	swait.eq [sflag:s15], $0x1  }
0x94: {  	[sflag:s15] =	ssyncset.done $0x0  }
0x95: {  	s16 =	sld [smem:$0x10];
	[sflag:s15] =	ssyncadd.s32 $0xFFFFFFFF  }
0x96: {  	s17 =	sld [smem:$0x11];
	(tm) =	ssettm $0x1  }
0x97: {  	s18 =	sld [smem:$0x3FFB];
	_ =	sdelay $0x3  }
0x98: {  	_ =	strace s18  }
0x99: {  	s4 =	sld [smem:$0x3FFC];
	_ =	sdelay $0x3  }
0x9a: {  	_ =	strace s4  }
0x9b: {  	s4 =	sld [smem:$0x3FFD];
	_ =	sdelay $0x3  }
0x9c: {  	_ =	strace s4  }
0x9d: {  	_ =	strace $0x8FFFFFFF  }
0x9e: {  	s19 =	sld [smem:$0x3FDB];
	_ =	sdelay $0x1  }
0x9f: {  	s5 =	simm.s32 $_scs_section_size  }
0xa0: {  	s6 =	simm.s32 $_size__tile_overlayer_lowered;
	s7 =	simm.s32 $_tile_overlayer_lowered  }
0xa1: {  	s22 =	simm.s32 $0x1BFF;
	s21 =	sshll.u32 s7, $0x1;
	s4 =	sadd.s32 s5, s19  }
0xa2: {  	s8 =	simm.s32 $0x0;
	s20 =	sshll.u32 s6, $0x1;
	s6 =	sadd.s32 s21, s4  }
0xa3: {  	[timem:s8], [sflag:s22] =	dma.local [hbm:s6], s20  }
0xa4: {  	_ =	swait.ge [sflag:s22], s20  }
0xa5: {  	s5 =	ssub.s32 $0x0, s20;
	[sflag:s22] =	ssyncset.done $0x0  }
0xa6: {  	[sflag:s22] =	ssyncadd.s32 s5;
	_ =	sdelay $0x1  }
0xa7: {  	s23 =	simm.s32 $0x1B8B  }
0xa8: {  	_ =	swait.ge [sflag:s23], $0x1  }
0xa9: {  	[sflag:s23] =	ssyncset.done $0x0  }
0xaa: {  	s25 =	simm.s32 $0x1B8E;
	s24 =	sld [smem:$0x3FFE];
	[sflag:s23] =	ssyncadd.s32 $0xFFFFFFFF  }
0xab: {  	s26 =	simm.s32 $execute0_lowered;
	[smem:$0x3FD2] =	sst s25  }
0xac: {  	s6 =	sshll.u32 s26, $0x1;
	_ =	strace $0x80000049;
	[dreg:$0x1] =	wrdreg $0xFFFFFFFF  }
0xad: {  	s28 =	simm.s32 $_size_execute0_lowered;
	s4 =	sadd.s32 s4, s6;
	[dreg:$0x0] =	wrdreg $0x0  }
0xae: {  	s6 =	sshll.u32 s28, $0x1;
	[dreg:$0x2] =	wrdreg s4  }
0xaf: {  	[dreg:$0x3] =	wrdreg s6  }
0xb0: {  	[dreg:$0x4] =	wrdreg $0xC0  }
0xb1: {  	_ =	task [dreg:s8], $0x5FFFF  }
0xb2: {  	[dreg:$0x1] =	wrdreg $0xFFFFFFFF  }
0xb3: {  	[dreg:$0x0] =	wrdreg $0x60  }
0xb4: {  	[dreg:$0x2] =	wrdreg s17  }
0xb5: {  	[dreg:$0x3] =	wrdreg s16  }
0xb6: {  	[dreg:$0x4] =	wrdreg s24  }
0xb7: {  	[dreg:$0x5] =	wrdreg $0x0  }
0xb8: {  	[dreg:$0x6] =	wrdreg $0x9  }
0xb9: {  	_ =	task.clear_ibuf [dreg:s8], $0x7FFFF;
	_ =	strace $0x90000049  }
0xba: {  	s29 =	simm.s32 $0x9;
	_ =	strace $0x8000004B  }
0xbb: {  	_ =	swait.ge [sflag:s29], $0x1  }
0xbc: {  	[sflag:s29] =	ssyncadd.s32 $0xFFFFFFFF  }
0xbd: {  	_ =	strace $0x9000004B  }
0xbe: {  	_ =	sfence  }
0xbf: {  	s30 =	sld [smem:$0x0];
	_ =	sdelay $0x2  }
0xc0: {  	s31 =	sshll.u32 s1, $0xD;
	s1 =	sshrl.u32 s1, $0x2  }
0xc1: {  	s3 =	sand.u32 $0x4000, s31;
	s1 =	sadd.s32 s1, s30  }
0xc2: {  	s0 =	sor.u32 s3, s0;
	s1 =	sshll.u32 s1, $0x11  }
0xc3: {  	s0 =	sor.u32 s1, s0  }
0xc4: {  	s0 =	sadd.s32 $0x8F2B, s0  }
0xc5: {  	[sflag:s0] =	ssyncadd.remote.s32 $0x1  }
0xc6: {  	_ =	sfence.sel $0xFFFF  }
0xc7: {  	[dreg:$0x0] =	wrdreg $0xFFFFFFFF;
	(pc) =	sbr.abs _section_cstart, $3  }
0xc8: {  	[dreg:$0x1] =	wrdreg $0xFFFFFFFF  }
0xc9: {  	_ =	task.clear_ibuf [dreg:s8], $0x2FFFF;
	_ =	strace $0x9FFFFFFF  }
0xca: {  	(tm) =	ssettm $0x7FFFFFFF  }
0xcb: {  	_ =	shalt  }
tec
execute0_lowered:
.L_overlay_start_1:
0x0: {  	(tag) =	ssettag $0x1  }
0x1: {  	s1 =	rddreg [dreg:$0x0]  }
0x2: {  	s2 =	rddreg [dreg:$0x1]  }
0x3: {  	s0 =	rddreg [dreg:$0x2]  }
0x4: {  	s3 =	rddreg [dreg:$0x3];
	s21 =	simm.s32 $0x0;
	s4 =	srdreg.scid  }
0x5: {  	s10 =	stileid.u32;
	s16 =	simm.s32 $0x9;
	s17 =	simm.s32 $0x13C00  }
0x6: {  	s18 =	simm.s32 $0x15000;
	s19 =	simm.s32 $0x40;
	s20 =	simm.s32 $0x16400  }
0x7: {  	s28 =	simm.s32 $0x1C400;
	s29 =	simm.s32 $0x2;
	s31 =	simm.s32 $0x5  }
0x8: {  	s13 =	simm.s32 $0x4;
	s14 =	simm.s32 $0x15180;
	s12 =	simm.s32 $0x7  }
0x9: {  	s15 =	simm.s32 $0x13F00;
	[smem:$0x7FF] =	sst s21;
	s6 =	sadd.s32 $0x56200, s0  }
0xa: {  	s4 =	sand.u32 $0x1, s4;
	s7 =	sadd.s32 $0x6A200, s0;
	s8 =	smul.u32 $0x4F000, s10  }
0xb: {  	s9 =	sadd.s32 $0x4A00, s0;
	s22 =	sadd.s32 $0x7E200, s0;
	s0 =	sadd.s32 $0xA5A00, s0  }
0xc: {  	s11 =	smul.u32 $0x140, s10;
	_ =	strace $0x8000004A;
	[dreg:$0x6] =	wrdreg s9  }
0xd: {  	s26 =	sshll.u32 s10, $0x6;
	s30 =	smul.u32 $0x2780, s10;
	[dreg:$0x7] =	wrdreg s22  }
0xe: {  	s10 =	simm.s32 $0x6;
	s5 =	ssub.s32 $0x2, s4;
	[dreg:$0x8] =	wrdreg s0  }
0xf: {  	s9 =	sor.u32 $0x1C09, s26;
	p0 =	seq.s32 s4, $0x1;
	s22 =	simm.s32 $0x18400  }
.Ltmp0:
0x10: {  	s4 =	simm.s32 $0x8;
	s23 =	sshrl.u32 s5, $0x1;
	(pc) =	sbr.rel .LBB2_1-.Ltmp0, $4  }
0x11: {  	s25 =	sshrl.u32 s8, $0x2;
	[dreg:$0xa] =	wrdreg s30;
	s24 =	ssub.s32 s5, s23  }
0x12: {  	[dreg:$0x9] =	wrdreg s9;
	s5 =	sadd.s32 s25, s3;
	s0 =	smax.u32 s24, $0x1  }
0x13: {  	s25 =	simm.s32 $0x1;
	s23 =	sshrl.u32 s5, $0x3;
	[dreg:$0xb] =	wrdreg s0  }
0x14: {  	s24 =	simm.s32 $0x1A400;
	s5 =	simm.s32 $0x3;
	[dreg:$0xc] =	wrdreg s23  }
.LBB2_11:
0x15: {  	s21 =	rddreg [dreg:$0x8]  }
0x16: {  	s8 =	rddreg [dreg:$0x5]  }
.LBB2_12:
0x17: {  	s0 =	rddreg [dreg:$0xa];
	[bflag:$0x0] =	sbarrier.arrive $0xFFFF  }
0x18: {  	s9 =	rddreg [dreg:$0x9]  }
0x19: {  	s0 =	sadd.s32 s21, s0;
	s23 =	rddreg [dreg:$0xc]  }
0x1a: {  	[hbm:s0], [sflag:s9] =	dma.local [spmem:s23], $0x2780  }
0x1b: {  	_ =	swait.ge [sflag:s16], $0x2780  }
0x1c: {  	s21 =	sadd.s32 $0x1, s8;
	s30 =	rddreg [dreg:$0xb]  }
0x1d: {  	p1 =	sne.s32 s21, s30  }
.Ltmp1:
0x1e: {  	_ = 	snop;
	(pc) =	sbr.rel @!p1 .LBB2_13-.Ltmp1, $3  }
0x1f: {  	_ =	sdelay $0x1  }
0x20: {  	[sflag:s16] =	ssyncset.done $0x0  }
0x21: {  	[sflag:s16] =	ssyncadd.s32 $0xFFFFD880  }
.LBB2_1:
0x22: {  	[dreg:$0x5] =	wrdreg s21  }
0x23: {  	s0 =	rddreg [dreg:$0x6]  }
0x24: {  	[spmem:s23], [sflag:s9] =	dma.local [hbm:s0], $0x2780  }
.Ltmp2:
0x25: {  	_ =	swait.ge [sflag:s16], $0x2780;
	(pc) =	sbr.rel @p0 .LBB2_7-.Ltmp2, $4  }
.Ltmp3:
0x26: {  	[sflag:s16] =	ssyncset.done $0x0;
	(pc) =	sbr.rel @!p0 .LBB2_2-.Ltmp3, $4  }
0x27: {  	[sflag:s16] =	ssyncadd.s32 $0xFFFFD880  }
0x28: {  	[bflag:$0x0] =	sbarrier.arrive $0xFFFF  }
0x29: {  	s21 =	simm.s32 $0x0;
	s23 =	simm.s32 $0x0  }
0x2a: {  	_ = 	snop  }
.LBB2_10:
0x2b: {  	s23 =	sadd.s32 $0x1, s23  }
0x2c: {  	p1 =	sne.s32 s23, $0x8  }
.Ltmp4:
0x2d: {  	_ = 	snop;
	(pc) =	sbr.rel @!p1 .LBB2_11-.Ltmp4, $4  }
0x2e: {  	_ = 	snop  }
0x2f: {  	_ =	swait.ge [sflag:s4], $0x2000  }
0x30: {  	[sflag:s4] =	ssyncset.done $0x0  }
0x31: {  	[sflag:s4] =	ssyncadd.s32 $0xFFFFE000  }
.LBB2_7:
0x32: {  	s0 =	smul.u32 $0x28, s23;
	_ =	sdelay $0x1  }
0x33: {  	s0 =	sadd.s32 s11, s0  }
0x34: {  	s0 =	sshll.u32 s0, $0x4  }
0x35: {  	s21 =	simm.s32 $0x0;
	s8 =	sadd.s32 s6, s0  }
0x36: {  	[tilespmem:s17], [sflag:$0x9] =	stream.linear.gather [hbm4b:s8+s21], $0x1400, $0x38;
	[tilespmem:$0x1E400] =	vst v63  }
0x37: {  	_ =	swait.ge [sflag:s16], $0x1400  }
0x38: {  	[sflag:s16] =	ssyncset.done $0x0  }
0x39: {  	s0 =	sadd.s32 s7, s0;
	[sflag:s16] =	ssyncadd.s32 $0xFFFFEC00  }
0x3a: {  	[tilespmem:s18], [sflag:$0x9] =	stream.linear.gather [hbm4b:s0+s21], $0x1400, $0x38;
	[tilespmem:$0x1E400] =	vst v63  }
0x3b: {  	_ =	swait.ge [sflag:s16], $0x1400  }
0x3c: {  	[sflag:s16] =	ssyncset.done $0x0  }
0x3d: {  	[sflag:s16] =	ssyncadd.s32 $0xFFFFEC00  }
0x3e: {  	[tilespmem:s20], [sflag:$0x1] =	stream.indirect.gather [hbm4b:s2+s19], $0x80, s17, s19, $0xb8;
	[tilespmem:$0x1E400] =	vst v63  }
0x3f: {  	s9 =	simm.s32 $0x13C80  }
0x40: {  	[tilespmem:s22], [sflag:$0x2] =	stream.indirect.gather [hbm4b:s2+s19], $0x80, s9, s19, $0xb8;
	[tilespmem:$0x1E400] =	vst v63  }
0x41: {  	s26 =	simm.s32 $0x13D00  }
0x42: {  	[tilespmem:s24], [sflag:$0x3] =	stream.indirect.gather [hbm4b:s2+s19], $0x80, s26, s19, $0xb8;
	[tilespmem:$0x1E400] =	vst v63  }
0x43: {  	_ =	swait.ge [sflag:s25], $0x2000  }
0x44: {  	[sflag:s25] =	ssyncset.done $0x0  }
0x45: {  	[sflag:s25] =	ssyncadd.s32 $0xFFFFE000  }
0x46: {  	[spmem:s3] =	stream.indirect.scatter.add.f32 [tilespmem:s20], [sflag:$0x5], $0x80, s18, s19, $0xb8;
	[tilespmem:$0x1E400] =	vst v63  }
0x47: {  	s30 =	simm.s32 $0x13D80  }
0x48: {  	[tilespmem:s28], [sflag:$0x4] =	stream.indirect.gather [hbm4b:s2+s19], $0x80, s30, s19, $0xb8;
	[tilespmem:$0x1E400] =	vst v63  }
0x49: {  	_ =	swait.ge [sflag:s29], $0x2000  }
0x4a: {  	[sflag:s29] =	ssyncset.done $0x0  }
0x4b: {  	s8 =	simm.s32 $0x15080;
	[sflag:s29] =	ssyncadd.s32 $0xFFFFE000  }
0x4c: {  	[spmem:s3] =	stream.indirect.scatter.add.f32 [tilespmem:s22], [sflag:$0x6], $0x80, s8, s19, $0xb8;
	[tilespmem:$0x1E400] =	vst v63  }
0x4d: {  	_ =	swait.ge [sflag:s31], $0x2000  }
0x4e: {  	[sflag:s31] =	ssyncset.done $0x0  }
0x4f: {  	s9 =	simm.s32 $0x13E00;
	[sflag:s31] =	ssyncadd.s32 $0xFFFFE000  }
0x50: {  	[tilespmem:s20], [sflag:$0x1] =	stream.indirect.gather [hbm4b:s2+s19], $0x80, s9, s19, $0xb8;
	[tilespmem:$0x1E400] =	vst v63  }
0x51: {  	_ =	swait.ge [sflag:s5], $0x2000  }
0x52: {  	[sflag:s5] =	ssyncset.done $0x0  }
0x53: {  	s26 =	simm.s32 $0x15100;
	[sflag:s5] =	ssyncadd.s32 $0xFFFFE000  }
0x54: {  	[spmem:s3] =	stream.indirect.scatter.add.f32 [tilespmem:s24], [sflag:$0x7], $0x80, s26, s19, $0xb8;
	[tilespmem:$0x1E400] =	vst v63  }
0x55: {  	_ =	swait.ge [sflag:s10], $0x2000  }
0x56: {  	[sflag:s10] =	ssyncset.done $0x0  }
0x57: {  	s30 =	simm.s32 $0x13E80;
	[sflag:s10] =	ssyncadd.s32 $0xFFFFE000  }
0x58: {  	[tilespmem:s22], [sflag:$0x2] =	stream.indirect.gather [hbm4b:s2+s19], $0x80, s30, s19, $0xb8;
	[tilespmem:$0x1E400] =	vst v63  }
0x59: {  	_ =	swait.ge [sflag:s13], $0x2000  }
0x5a: {  	[sflag:s13] =	ssyncset.done $0x0  }
0x5b: {  	[sflag:s13] =	ssyncadd.s32 $0xFFFFE000  }
0x5c: {  	[spmem:s3] =	stream.indirect.scatter.add.f32 [tilespmem:s28], [sflag:$0x8], $0x80, s14, s19, $0xb8;
	[tilespmem:$0x1E400] =	vst v63  }
0x5d: {  	_ =	swait.ge [sflag:s12], $0x2000  }
0x5e: {  	[sflag:s12] =	ssyncset.done $0x0  }
0x5f: {  	[sflag:s12] =	ssyncadd.s32 $0xFFFFE000  }
0x60: {  	[tilespmem:s24], [sflag:$0x3] =	stream.indirect.gather [hbm4b:s2+s19], $0x80, s15, s19, $0xb8;
	[tilespmem:$0x1E400] =	vst v63  }
.LBB2_8:
0x61: {  	_ =	swait.ge [sflag:s25], $0x2000  }
0x62: {  	s26 =	sshra.s32 s21, $0x2;
	[sflag:s25] =	ssyncset.done $0x0  }
0x63: {  	s0 =	sadd.s32 $0x15200, s26;
	[sflag:s25] =	ssyncadd.s32 $0xFFFFE000  }
0x64: {  	[spmem:s3] =	stream.indirect.scatter.add.f32 [tilespmem:s20], [sflag:$0x5], $0x80, s0, s19, $0xb8;
	[tilespmem:$0x1E400] =	vst v63  }
0x65: {  	_ =	swait.ge [sflag:s4], $0x2000  }
0x66: {  	[sflag:s4] =	ssyncset.done $0x0  }
0x67: {  	s8 =	sadd.s32 $0x13F80, s26;
	[sflag:s4] =	ssyncadd.s32 $0xFFFFE000  }
0x68: {  	[tilespmem:s28], [sflag:$0x4] =	stream.indirect.gather [hbm4b:s2+s19], $0x80, s8, s19, $0xb8;
	[tilespmem:$0x1E400] =	vst v63  }
0x69: {  	_ =	swait.ge [sflag:s29], $0x2000  }
0x6a: {  	[sflag:s29] =	ssyncset.done $0x0  }
0x6b: {  	s9 =	sadd.s32 $0x15280, s26;
	[sflag:s29] =	ssyncadd.s32 $0xFFFFE000  }
0x6c: {  	[spmem:s3] =	stream.indirect.scatter.add.f32 [tilespmem:s22], [sflag:$0x6], $0x80, s9, s19, $0xb8;
	[tilespmem:$0x1E400] =	vst v63  }
0x6d: {  	_ =	swait.ge [sflag:s31], $0x2000  }
0x6e: {  	p1 =	seq.s32 s21, $0x4000;
	[sflag:s31] =	ssyncset.done $0x0  }
0x6f: {  	s0 =	simm.s32 @p1 $0x3;
	[sflag:s31] =	ssyncadd.s32 $0xFFFFE000  }
0x70: {  	_ =	swait.ge @p1 [sflag:s0], $0x2000  }
0x71: {  	[sflag:s0] =	ssyncset.done @p1 $0x0  }
0x72: {  	[sflag:s0] =	ssyncadd.s32 @p1 $0xFFFFE000;
	s0 =	sshra.s32 @p1 s21, $0x2  }
0x73: {  	s8 =	simm.s32 @p1 $0x40;
	s9 =	simm.s32 @p1 $0x1A400;
	s0 =	sadd.s32 @p1 $0x15300, s0  }
0x74: {  	[spmem:s3] =	stream.indirect.scatter.add.f32 @p1 [tilespmem:s9], [sflag:$0x7], $0x80, s0, s8, $0xb8;
	[tilespmem:$0x1E400] =	vst v63  }
0x75: {  	s0 =	simm.s32 @p1 $0x6  }
0x76: {  	_ =	swait.ge @p1 [sflag:s0], $0x2000  }
0x77: {  	[sflag:s0] =	ssyncset.done @p1 $0x0  }
0x78: {  	[sflag:s0] =	ssyncadd.s32 @p1 $0xFFFFE000;
	s0 =	sshra.s32 @!p1 s21, $0x2  }
0x79: {  	s30 =	simm.s32 @!p1 $0x16400;
	s9 =	simm.s32 @!p1 $0x40;
	s8 =	sadd.s32 @!p1 $0x14000, s0  }
0x7a: {  	[tilespmem:s30], [sflag:$0x1] =	stream.indirect.gather @!p1 [hbm4b:s2+s9], $0x80, s8, s9, $0xb8;
	[tilespmem:$0x1E400] =	vst v63  }
0x7b: {  	s8 =	simm.s32 @!p1 $0x3  }
0x7c: {  	_ =	swait.ge @!p1 [sflag:s8], $0x2000  }
0x7d: {  	[sflag:s8] =	ssyncset.done @!p1 $0x0  }
0x7e: {  	s30 =	simm.s32 @!p1 $0x1A400;
	[sflag:s8] =	ssyncadd.s32 @!p1 $0xFFFFE000;
	s8 =	sadd.s32 @!p1 $0x15300, s0  }
0x7f: {  	[spmem:s3] =	stream.indirect.scatter.add.f32 @!p1 [tilespmem:s30], [sflag:$0x7], $0x80, s8, s9, $0xb8;
	[tilespmem:$0x1E400] =	vst v63  }
0x80: {  	s8 =	simm.s32 @!p1 $0x6  }
0x81: {  	_ =	swait.ge @!p1 [sflag:s8], $0x2000  }
0x82: {  	[sflag:s8] =	ssyncset.done @!p1 $0x0  }
0x83: {  	s0 =	sadd.s32 @!p1 $0x14080, s0;
	[sflag:s8] =	ssyncadd.s32 @!p1 $0xFFFFE000;
	s8 =	simm.s32 @!p1 $0x18400  }
0x84: {  	[tilespmem:s8], [sflag:$0x2] =	stream.indirect.gather @!p1 [hbm4b:s2+s9], $0x80, s0, s9, $0xb8;
	[tilespmem:$0x1E400] =	vst v63  }
0x85: {  	_ =	swait.ge [sflag:s13], $0x2000  }
0x86: {  	[sflag:s13] =	ssyncset.done $0x0  }
.Ltmp5:
0x87: {  	s30 =	sadd.s32 $0x15380, s26;
	[sflag:s13] =	ssyncadd.s32 $0xFFFFE000;
	(pc) =	sbr.rel @p1 .LBB2_10-.Ltmp5, $4  }
0x88: {  	[spmem:s3] =	stream.indirect.scatter.add.f32 [tilespmem:s28], [sflag:$0x8], $0x80, s30, s19, $0xb8;
	[tilespmem:$0x1E400] =	vst v63  }
0x89: {  	_ =	swait.ge [sflag:s12], $0x2000  }
0x8a: {  	[sflag:s12] =	ssyncset.done $0x0  }
0x8b: {  	[sflag:s12] =	ssyncadd.s32 $0xFFFFE000  }
.Ltmp6:
0x8c: {  	(pc) =	sbr.rel .LBB2_8-.Ltmp6, $3  }
0x8d: {  	_ =	sdelay $0x1  }
0x8e: {  	s0 =	sadd.s32 $0x14100, s26;
	s21 =	sadd.s32 $0x800, s21  }
0x8f: {  	[tilespmem:s24], [sflag:$0x3] =	stream.indirect.gather [hbm4b:s2+s19], $0x80, s0, s19, $0xb8;
	[tilespmem:$0x1E400] =	vst v63  }
.LBB2_5:
0x90: {  	s21 =	sadd.s32 $0x1, s21  }
0x91: {  	p1 =	seq.s32 s21, $0x8  }
.Ltmp7:
0x92: {  	_ = 	snop;
	(pc) =	sbr.rel @p1 .LBB2_6-.Ltmp7, $4  }
0x93: {  	_ = 	snop  }
0x94: {  	_ =	swait.ge [sflag:s4], $0x2000  }
0x95: {  	[sflag:s4] =	ssyncset.done $0x0  }
0x96: {  	[sflag:s4] =	ssyncadd.s32 $0xFFFFE000  }
.LBB2_2:
0x97: {  	s23 =	smul.u32 $0x28, s21;
	_ =	sdelay $0x1  }
0x98: {  	s23 =	sadd.s32 s11, s23  }
0x99: {  	s26 =	sshll.u32 s23, $0x4  }
0x9a: {  	s23 =	simm.s32 $0x0;
	s30 =	sadd.s32 s6, s26  }
0x9b: {  	[tilespmem:s17], [sflag:$0x9] =	stream.linear.gather [hbm4b:s30+s23], $0x1400, $0x38;
	[tilespmem:$0x1E400] =	vst v63  }
0x9c: {  	_ =	swait.ge [sflag:s16], $0x1400  }
0x9d: {  	[sflag:s16] =	ssyncset.done $0x0  }
0x9e: {  	s26 =	sadd.s32 s7, s26;
	[sflag:s16] =	ssyncadd.s32 $0xFFFFEC00  }
0x9f: {  	[tilespmem:s18], [sflag:$0x9] =	stream.linear.gather [hbm4b:s26+s23], $0x1400, $0x38;
	[tilespmem:$0x1E400] =	vst v63  }
0xa0: {  	_ =	swait.ge [sflag:s16], $0x1400  }
0xa1: {  	[sflag:s16] =	ssyncset.done $0x0  }
0xa2: {  	[sflag:s16] =	ssyncadd.s32 $0xFFFFEC00  }
0xa3: {  	[tilespmem:s20], [sflag:$0x1] =	stream.indirect.gather [hbm4b:s1+s19], $0x80, s17, s19, $0xb8;
	[tilespmem:$0x1E400] =	vst v63  }
0xa4: {  	s0 =	simm.s32 $0x13C80  }
0xa5: {  	[tilespmem:s22], [sflag:$0x2] =	stream.indirect.gather [hbm4b:s1+s19], $0x80, s0, s19, $0xb8;
	[tilespmem:$0x1E400] =	vst v63  }
0xa6: {  	s26 =	simm.s32 $0x13D00  }
0xa7: {  	[tilespmem:s24], [sflag:$0x3] =	stream.indirect.gather [hbm4b:s1+s19], $0x80, s26, s19, $0xb8;
	[tilespmem:$0x1E400] =	vst v63  }
0xa8: {  	_ =	swait.ge [sflag:s25], $0x2000  }
0xa9: {  	[sflag:s25] =	ssyncset.done $0x0  }
0xaa: {  	[sflag:s25] =	ssyncadd.s32 $0xFFFFE000  }
0xab: {  	[spmem:s3] =	stream.indirect.scatter.add.f32 [tilespmem:s20], [sflag:$0x5], $0x80, s18, s19, $0xb8;
	[tilespmem:$0x1E400] =	vst v63  }
0xac: {  	s30 =	simm.s32 $0x13D80  }
0xad: {  	[tilespmem:s28], [sflag:$0x4] =	stream.indirect.gather [hbm4b:s1+s19], $0x80, s30, s19, $0xb8;
	[tilespmem:$0x1E400] =	vst v63  }
0xae: {  	_ =	swait.ge [sflag:s29], $0x2000  }
0xaf: {  	[sflag:s29] =	ssyncset.done $0x0  }
0xb0: {  	s8 =	simm.s32 $0x15080;
	[sflag:s29] =	ssyncadd.s32 $0xFFFFE000  }
0xb1: {  	[spmem:s3] =	stream.indirect.scatter.add.f32 [tilespmem:s22], [sflag:$0x6], $0x80, s8, s19, $0xb8;
	[tilespmem:$0x1E400] =	vst v63  }
0xb2: {  	_ =	swait.ge [sflag:s31], $0x2000  }
0xb3: {  	[sflag:s31] =	ssyncset.done $0x0  }
0xb4: {  	s9 =	simm.s32 $0x13E00;
	[sflag:s31] =	ssyncadd.s32 $0xFFFFE000  }
0xb5: {  	[tilespmem:s20], [sflag:$0x1] =	stream.indirect.gather [hbm4b:s1+s19], $0x80, s9, s19, $0xb8;
	[tilespmem:$0x1E400] =	vst v63  }
0xb6: {  	_ =	swait.ge [sflag:s5], $0x2000  }
0xb7: {  	[sflag:s5] =	ssyncset.done $0x0  }
0xb8: {  	s26 =	simm.s32 $0x15100;
	[sflag:s5] =	ssyncadd.s32 $0xFFFFE000  }
0xb9: {  	[spmem:s3] =	stream.indirect.scatter.add.f32 [tilespmem:s24], [sflag:$0x7], $0x80, s26, s19, $0xb8;
	[tilespmem:$0x1E400] =	vst v63  }
0xba: {  	_ =	swait.ge [sflag:s10], $0x2000  }
0xbb: {  	[sflag:s10] =	ssyncset.done $0x0  }
0xbc: {  	s30 =	simm.s32 $0x13E80;
	[sflag:s10] =	ssyncadd.s32 $0xFFFFE000  }
0xbd: {  	[tilespmem:s22], [sflag:$0x2] =	stream.indirect.gather [hbm4b:s1+s19], $0x80, s30, s19, $0xb8;
	[tilespmem:$0x1E400] =	vst v63  }
0xbe: {  	_ =	swait.ge [sflag:s13], $0x2000  }
0xbf: {  	[sflag:s13] =	ssyncset.done $0x0  }
0xc0: {  	[sflag:s13] =	ssyncadd.s32 $0xFFFFE000  }
0xc1: {  	[spmem:s3] =	stream.indirect.scatter.add.f32 [tilespmem:s28], [sflag:$0x8], $0x80, s14, s19, $0xb8;
	[tilespmem:$0x1E400] =	vst v63  }
0xc2: {  	_ =	swait.ge [sflag:s12], $0x2000  }
0xc3: {  	[sflag:s12] =	ssyncset.done $0x0  }
0xc4: {  	[sflag:s12] =	ssyncadd.s32 $0xFFFFE000  }
0xc5: {  	[tilespmem:s24], [sflag:$0x3] =	stream.indirect.gather [hbm4b:s1+s19], $0x80, s15, s19, $0xb8;
	[tilespmem:$0x1E400] =	vst v63  }
.LBB2_3:
0xc6: {  	_ =	swait.ge [sflag:s25], $0x2000  }
0xc7: {  	s26 =	sshra.s32 s23, $0x2;
	[sflag:s25] =	ssyncset.done $0x0  }
0xc8: {  	s30 =	sadd.s32 $0x15200, s26;
	[sflag:s25] =	ssyncadd.s32 $0xFFFFE000  }
0xc9: {  	[spmem:s3] =	stream.indirect.scatter.add.f32 [tilespmem:s20], [sflag:$0x5], $0x80, s30, s19, $0xb8;
	[tilespmem:$0x1E400] =	vst v63  }
0xca: {  	_ =	swait.ge [sflag:s4], $0x2000  }
0xcb: {  	[sflag:s4] =	ssyncset.done $0x0  }
0xcc: {  	s8 =	sadd.s32 $0x13F80, s26;
	[sflag:s4] =	ssyncadd.s32 $0xFFFFE000  }
0xcd: {  	[tilespmem:s28], [sflag:$0x4] =	stream.indirect.gather [hbm4b:s1+s19], $0x80, s8, s19, $0xb8;
	[tilespmem:$0x1E400] =	vst v63  }
0xce: {  	_ =	swait.ge [sflag:s29], $0x2000  }
0xcf: {  	[sflag:s29] =	ssyncset.done $0x0  }
0xd0: {  	s9 =	sadd.s32 $0x15280, s26;
	[sflag:s29] =	ssyncadd.s32 $0xFFFFE000  }
0xd1: {  	[spmem:s3] =	stream.indirect.scatter.add.f32 [tilespmem:s22], [sflag:$0x6], $0x80, s9, s19, $0xb8;
	[tilespmem:$0x1E400] =	vst v63  }
0xd2: {  	_ =	swait.ge [sflag:s31], $0x2000  }
0xd3: {  	p1 =	seq.s32 s23, $0x4000;
	[sflag:s31] =	ssyncset.done $0x0  }
0xd4: {  	s30 =	simm.s32 @p1 $0x3;
	[sflag:s31] =	ssyncadd.s32 $0xFFFFE000  }
0xd5: {  	_ =	swait.ge @p1 [sflag:s30], $0x2000  }
0xd6: {  	[sflag:s30] =	ssyncset.done @p1 $0x0  }
0xd7: {  	[sflag:s30] =	ssyncadd.s32 @p1 $0xFFFFE000;
	s30 =	sshra.s32 @p1 s23, $0x2  }
0xd8: {  	s0 =	simm.s32 @p1 $0x40;
	s9 =	simm.s32 @p1 $0x1A400;
	s30 =	sadd.s32 @p1 $0x15300, s30  }
0xd9: {  	[spmem:s3] =	stream.indirect.scatter.add.f32 @p1 [tilespmem:s9], [sflag:$0x7], $0x80, s30, s0, $0xb8;
	[tilespmem:$0x1E400] =	vst v63  }
0xda: {  	s0 =	simm.s32 @p1 $0x6  }
0xdb: {  	_ =	swait.ge @p1 [sflag:s0], $0x2000  }
0xdc: {  	[sflag:s0] =	ssyncset.done @p1 $0x0  }
0xdd: {  	[sflag:s0] =	ssyncadd.s32 @p1 $0xFFFFE000;
	s0 =	sshra.s32 @!p1 s23, $0x2  }
0xde: {  	s8 =	simm.s32 @!p1 $0x16400;
	s30 =	simm.s32 @!p1 $0x40;
	s9 =	sadd.s32 @!p1 $0x14000, s0  }
0xdf: {  	[tilespmem:s8], [sflag:$0x1] =	stream.indirect.gather @!p1 [hbm4b:s1+s30], $0x80, s9, s30, $0xb8;
	[tilespmem:$0x1E400] =	vst v63  }
0xe0: {  	s8 =	simm.s32 @!p1 $0x3  }
0xe1: {  	_ =	swait.ge @!p1 [sflag:s8], $0x2000  }
0xe2: {  	[sflag:s8] =	ssyncset.done @!p1 $0x0  }
0xe3: {  	s9 =	simm.s32 @!p1 $0x1A400;
	[sflag:s8] =	ssyncadd.s32 @!p1 $0xFFFFE000;
	s8 =	sadd.s32 @!p1 $0x15300, s0  }
0xe4: {  	[spmem:s3] =	stream.indirect.scatter.add.f32 @!p1 [tilespmem:s9], [sflag:$0x7], $0x80, s8, s30, $0xb8;
	[tilespmem:$0x1E400] =	vst v63  }
0xe5: {  	s8 =	simm.s32 @!p1 $0x6  }
0xe6: {  	_ =	swait.ge @!p1 [sflag:s8], $0x2000  }
0xe7: {  	[sflag:s8] =	ssyncset.done @!p1 $0x0  }
0xe8: {  	s0 =	sadd.s32 @!p1 $0x14080, s0;
	[sflag:s8] =	ssyncadd.s32 @!p1 $0xFFFFE000;
	s8 =	simm.s32 @!p1 $0x18400  }
0xe9: {  	[tilespmem:s8], [sflag:$0x2] =	stream.indirect.gather @!p1 [hbm4b:s1+s30], $0x80, s0, s30, $0xb8;
	[tilespmem:$0x1E400] =	vst v63  }
0xea: {  	_ =	swait.ge [sflag:s13], $0x2000  }
0xeb: {  	[sflag:s13] =	ssyncset.done $0x0  }
.Ltmp8:
0xec: {  	s30 =	sadd.s32 $0x15380, s26;
	[sflag:s13] =	ssyncadd.s32 $0xFFFFE000;
	(pc) =	sbr.rel @p1 .LBB2_5-.Ltmp8, $4  }
0xed: {  	[spmem:s3] =	stream.indirect.scatter.add.f32 [tilespmem:s28], [sflag:$0x8], $0x80, s30, s19, $0xb8;
	[tilespmem:$0x1E400] =	vst v63  }
0xee: {  	_ =	swait.ge [sflag:s12], $0x2000  }
0xef: {  	[sflag:s12] =	ssyncset.done $0x0  }
0xf0: {  	[sflag:s12] =	ssyncadd.s32 $0xFFFFE000  }
.Ltmp9:
0xf1: {  	(pc) =	sbr.rel .LBB2_3-.Ltmp9, $3  }
0xf2: {  	_ =	sdelay $0x1  }
0xf3: {  	s0 =	sadd.s32 $0x14100, s26;
	s23 =	sadd.s32 $0x800, s23  }
0xf4: {  	[tilespmem:s24], [sflag:$0x3] =	stream.indirect.gather [hbm4b:s1+s19], $0x80, s0, s19, $0xb8;
	[tilespmem:$0x1E400] =	vst v63  }
.LBB2_6:
.Ltmp10:
0xf5: {  	(pc) =	sbr.rel .LBB2_12-.Ltmp10, $3  }
0xf6: {  	_ =	sdelay $0x1  }
0xf7: {  	s21 =	rddreg [dreg:$0x7]  }
0xf8: {  	s8 =	rddreg [dreg:$0x5]  }
.LBB2_13:
0xf9: {  	_ =	sfence.sel $0x180000  }
0xfa: {  	[bflag:$0x0] =	sbarrier.arrive $0xFFFF  }
0xfb: {  	_ =	strace $0x9000004A  }
0xfc: {  	s0 =	stileid.u32;
	[bflag:$0x2] =	sbarrier.arrive $0xFFFF  }
0xfd: {  	p0 =	sne.s32 s0, $0x0;
	s0 =	rddreg [dreg:$0x4]  }
0xfe: {  	s0 =	sadd.s32 @!p0 $0x100000, s0  }
0xff: {  	[sflag:s0] =	ssyncadd.tile.s32 @!p0 $0x1;
	_ =	shalt  }
.Lfunc_end2:
_tile_overlayer_lowered:
.L_overlay_start_2:
0x100: {  	(tag) =	ssettag $0x2  }
0x101: {  	s0 =	rddreg [dreg:$0x0];
	s2 =	stileid.u32  }
0x102: {  	s1 =	rddreg [dreg:$0x1];
	p0 =	sne.s32 s2, $0x0  }
0x103: {  	s3 =	rddreg [dreg:$0x2];
	[bflag:$0x3] =	sbarrier.arrive $0xFFFF;
	s2 =	simm.s32 @!p0 $0x1C09  }
0x104: {  	[timem:s3], [sflag:s2] =	dma.local @!p0 [hbm:s0], s1  }
0x105: {  	s0 =	simm.s32 @!p0 $0x9  }
0x106: {  	_ =	swait.ge @!p0 [sflag:s0], s1  }
0x107: {  	s1 =	ssub.s32 @!p0 $0x0, s1;
	[sflag:s0] =	ssyncset.done @!p0 $0x0  }
0x108: {  	[sflag:s0] =	ssyncadd.s32 @!p0 s1  }
0x109: {  	[bflag:$0x3] =	sbarrier.arrive $0xFFFF  }
0x10a: {  	_ =	shalt  }

</sc_bundles>
